<compile_context>
chip_gen: v7x
topology: tpu7x:2x2x1
jax: 0.10.2.dev20260603
libtpu: 0.0.44.dev20260713+nightly
codegen_flags: <defaults>
</compile_context>

<pallas_src>
import functools

import jax
import jax.numpy as jnp
import numpy as np
from jax import lax
from jax.experimental import pallas as pl
from jax.experimental.pallas import tpu as pltpu
from jax.experimental.pallas import tpu_sc as plsc

ISHAPE = (1024, 1024, 3)
POOL = (7, 7)
NLVL = 4
H = 128
W = 128
C = 256
NROI = 1000
NPAD = 1024
NWORK = 32
SLOTS = NPAD // NWORK
NPTS = POOL[0] * POOL[1]
GROWS = 56
LANES = 16
YSC = np.float32((H - 1.0) / (POOL[0] - 1.0))
XSC = np.float32((W - 1.0) / (POOL[1] - 1.0))


def _sc_body(table_h, aug_h, order_h, out_h,
             order_v, aug_v,
             idx_tl, idx_tr, idx_bl, idx_br,
             r_tl, r_tr, r_bl, r_br, crop, gsem):
    cid = lax.axis_index("c")
    sid = lax.axis_index("s")
    wid = sid * 2 + cid
    base = wid * SLOTS

    pltpu.sync_copy(order_h.at[pl.ds(base, SLOTS)], order_v)
    pltpu.async_copy(aug_h.at[order_v], aug_v, gsem).wait()

    nvalid = jnp.minimum(jnp.int32(SLOTS), jnp.int32(NROI) - base)
    it = lax.iota(jnp.int32, LANES)

    def roi_body(k, carry):
        @pl.when(k < nvalid)
        def _():
            rec = aug_v[k, pl.ds(0, LANES)]
            y1n = rec[0]
            x1n = rec[1]
            y2n = rec[2]
            x2n = rec[3]
            lbn = rec[4].astype(jnp.int32)

            for b in range(4):
                pv = it + (b * LANES)
                iv = lax.shift_right_logical(pv * 9363, 16)
                jv = pv - iv * POOL[1]
                ivf = iv.astype(jnp.float32)
                jvf = jv.astype(jnp.float32)
                ys = y1n * (H - 1.0) + ivf * (y2n - y1n) * YSC
                xs = x1n * (W - 1.0) + jvf * (x2n - x1n) * XSC
                vy = jnp.where((ys >= 0.0) & (ys <= H - 1.0), 1.0, 0.0)
                vx = jnp.where((xs >= 0.0) & (xs <= W - 1.0), 1.0, 0.0)
                ysc = jnp.minimum(jnp.maximum(ys, 0.0), H - 1.0)
                xsc = jnp.minimum(jnp.maximum(xs, 0.0), W - 1.0)
                y0 = ysc.astype(jnp.int32)
                x0 = xsc.astype(jnp.int32)
                ly = ysc - y0.astype(jnp.float32)
                lx = xsc - x0.astype(jnp.float32)
                y1i = jnp.minimum(y0 + 1, H - 1)
                x1i = jnp.minimum(x0 + 1, W - 1)
                sl = pl.ds(b * LANES, LANES)
                row0 = lbn + y0 * W
                row1 = lbn + y1i * W
                idx_tl[sl] = row0 + x0
                idx_tr[sl] = row0 + x1i
                idx_bl[sl] = row1 + x0
                idx_br[sl] = row1 + x1i

            c1 = pltpu.async_copy(table_h.at[idx_tl.at[pl.ds(0, GROWS)]], r_tl, gsem)
            c2 = pltpu.async_copy(table_h.at[idx_tr.at[pl.ds(0, GROWS)]], r_tr, gsem)
            c3 = pltpu.async_copy(table_h.at[idx_bl.at[pl.ds(0, GROWS)]], r_bl, gsem)
            c4 = pltpu.async_copy(table_h.at[idx_br.at[pl.ds(0, GROWS)]], r_br, gsem)
            c1.wait()
            c2.wait()
            c3.wait()
            c4.wait()

            def pbody(p, cy):
                ii = lax.shift_right_logical(p * 9363, 16)
                jj = p - ii * POOL[1]
                ysp = y1n * (H - 1.0) + ii.astype(jnp.float32) * (y2n - y1n) * YSC
                xsp = x1n * (W - 1.0) + jj.astype(jnp.float32) * (x2n - x1n) * XSC
                ysc = jnp.minimum(jnp.maximum(ysp, 0.0), H - 1.0)
                xsc = jnp.minimum(jnp.maximum(xsp, 0.0), W - 1.0)
                fy = ysc.astype(jnp.int32).astype(jnp.float32)
                fy = fy - jnp.where(fy > ysc, 1.0, 0.0)
                fx = xsc.astype(jnp.int32).astype(jnp.float32)
                fx = fx - jnp.where(fx > xsc, 1.0, 0.0)
                wy = ysc - fy
                wx = xsc - fx
                wyv = jnp.full((LANES,), wy)
                wxv = jnp.full((LANES,), wx)
                for cc in range(C // LANES):
                    cs = pl.ds(cc * LANES, LANES)
                    tl = r_tl[p, cs]
                    tr = r_tr[p, cs]
                    bl = r_bl[p, cs]
                    br = r_br[p, cs]
                    top = tl + (tr - tl) * wxv
                    bot = bl + (br - bl) * wxv
                    crop[p, cs] = top + (bot - top) * wyv
                return cy

            lax.fori_loop(0, NPTS, pbody, 0)
            pltpu.sync_copy(crop, out_h.at[base + k])
        return carry

    lax.fori_loop(0, SLOTS, roi_body, 0)


@jax.jit
def _run(table, aug, order_pad):
    mesh = plsc.VectorSubcoreMesh(core_axis_name="c", subcore_axis_name="s",
                                  num_cores=2, num_subcores=16)
    f = pl.kernel(
        _sc_body,
        out_type=jax.ShapeDtypeStruct((NROI, NPTS, C), jnp.float32),
        mesh=mesh,
        scratch_types=[
            pltpu.VMEM((SLOTS,), jnp.int32),
            pltpu.VMEM((SLOTS, 128), jnp.float32),
            pltpu.VMEM((64,), jnp.int32),
            pltpu.VMEM((64,), jnp.int32),
            pltpu.VMEM((64,), jnp.int32),
            pltpu.VMEM((64,), jnp.int32),
            pltpu.VMEM((GROWS, C), jnp.float32),
            pltpu.VMEM((GROWS, C), jnp.float32),
            pltpu.VMEM((GROWS, C), jnp.float32),
            pltpu.VMEM((GROWS, C), jnp.float32),
            pltpu.VMEM((NPTS, C), jnp.float32),
            pltpu.SemaphoreType.DMA,
        ],
    )
    return f(table, aug, order_pad)


def kernel(feature_maps, rois):
    roi = rois[0]
    y1, x1, y2, x2 = jnp.split(roi, 4, axis=1)
    h = y2 - y1
    w = x2 - x1
    lvl = jnp.log(jnp.sqrt(h * w)) / jnp.log(2.0)
    lvl = jnp.minimum(3, jnp.maximum(0, jnp.round(lvl - 5.0).astype(jnp.int32)))
    lvl = jnp.squeeze(lvl, axis=1)
    order = jnp.argsort(lvl)

    scale = jnp.array([1.0 / ISHAPE[0], 1.0 / ISHAPE[1],
                       1.0 / ISHAPE[0], 1.0 / ISHAPE[1]], dtype=jnp.float32)
    norm = roi * scale
    rec = jnp.concatenate(
        [norm, (lvl * (H * W)).astype(jnp.float32)[:, None],
         jnp.zeros((NROI, 123), jnp.float32)], axis=1)
    aug = jnp.zeros((NPAD, 128), jnp.float32).at[:NROI].set(rec)
    order_pad = jnp.concatenate(
        [order.astype(jnp.int32), jnp.zeros((NPAD - NROI,), jnp.int32)])

    table = feature_maps[:, 0].reshape(NLVL * H * W, C)
    out = _run(table, aug, order_pad)
    return out.reshape(1, NROI, POOL[0], POOL[1], C)

# --- scband reference (transcript-rebuilt; emitter-appended) ---
"""Pipeline reference for scband-pyramid-roi-align-layer-77627238908019 (READ-ONLY COPY).

The authoritative reference and input builder live on the scoring server;
editing this copy changes nothing except your own understanding.
"""

import jax, jax.numpy as jnp
import numpy as np

ISHAPE = (1024, 1024, 3)
POOL = (7, 7)
K0 = 5.0


def setup_inputs(seed: int = 0) -> dict:
    key = jax.random.key(seed)
    k1, k2, k3, k4 = jax.random.split(key, 4)
    feature_maps = jax.random.normal(k1, (4, 1, 128, 128, 256), dtype=jnp.float32)
    N = 1000
    y1 = jax.random.uniform(k2, (N, 1), minval=0.0, maxval=500.0)
    x1 = jax.random.uniform(k3, (N, 1), minval=0.0, maxval=500.0)
    sz = jax.random.uniform(k4, (N, 2), minval=32.0, maxval=500.0)
    y2 = y1 + sz[:, 0:1]
    x2 = x1 + sz[:, 1:2]
    rois = jnp.concatenate([y1, x1, y2, x2], axis=1)[None]  # [1, N, 4] pixel coords [y1,x1,y2,x2]
    return {"feature_maps": feature_maps, "rois": rois}


def _crop_one(fm, level, box):
    # fm: [4, H, W, C]; box: normalized [y1, x1, y2, x2]; emulates tf.image.crop_and_resize (bilinear, extrapolation 0)
    ch, cw = POOL
    H, W = fm.shape[1], fm.shape[2]
    y1, x1, y2, x2 = box[0], box[1], box[2], box[3]
    ys = y1 * (H - 1) + jnp.arange(ch, dtype=jnp.float32) * (y2 - y1) * (H - 1) / (ch - 1)
    xs = x1 * (W - 1) + jnp.arange(cw, dtype=jnp.float32) * (x2 - x1) * (W - 1) / (cw - 1)
    valid_y = (ys >= 0) & (ys <= H - 1)
    valid_x = (xs >= 0) & (xs <= W - 1)
    ysc = jnp.clip(ys, 0.0, H - 1.0)
    xsc = jnp.clip(xs, 0.0, W - 1.0)
    y0 = jnp.floor(ysc).astype(jnp.int32)
    x0 = jnp.floor(xsc).astype(jnp.int32)
    y1i = jnp.clip(y0 + 1, 0, H - 1)
    x1i = jnp.clip(x0 + 1, 0, W - 1)
    ly = ysc - y0.astype(jnp.float32)
    lx = xsc - x0.astype(jnp.float32)
    tl = fm[level, y0[:, None], x0[None, :]]
    tr = fm[level, y0[:, None], x1i[None, :]]
    bl = fm[level, y1i[:, None], x0[None, :]]
    br = fm[level, y1i[:, None], x1i[None, :]]
    ly_ = ly[:, None, None]
    lx_ = lx[None, :, None]
    top = tl + (tr - tl) * lx_
    bot = bl + (br - bl) * lx_
    out = top + (bot - top) * ly_
    mask = (valid_y[:, None] & valid_x[None, :])[..., None]
    return jnp.where(mask, out, 0.0)


def _forward(feature_maps, rois):
    roi = rois[0]  # [N, 4], batch element 0 as in the original layer
    y1, x1, y2, x2 = jnp.split(roi, 4, axis=1)
    h = y2 - y1
    w = x2 - x1
    lvl = jnp.log(jnp.sqrt(h * w)) / jnp.log(2.0)
    lvl = jnp.minimum(3, jnp.maximum(0, jnp.round(lvl - K0).astype(jnp.int32)))
    lvl = jnp.squeeze(lvl, axis=1)  # [N]
    scale = jnp.array([1.0 / ISHAPE[0], 1.0 / ISHAPE[1], 1.0 / ISHAPE[0], 1.0 / ISHAPE[1]], dtype=jnp.float32)
    norm_roi = roi * scale
    # original concatenates per-level gathers in level order (stable within level);
    # reproduce with a stable argsort over levels
    order = jnp.argsort(lvl)  # jnp.argsort is stable
    sorted_lvl = lvl[order]
    sorted_boxes = jax.lax.stop_gradient(norm_roi[order])
    fm = feature_maps[:, 0]  # [4, H, W, C]
    crops = jax.vmap(lambda l, b: _crop_one(fm, l, b))(sorted_lvl, sorted_boxes)  # [N, ph, pw, C]
    return crops[None]  # [1, N, ph, pw, C]


def reference(feature_maps, rois):
    return _forward(feature_maps, rois)

if __name__ == "__main__":
    import jax
    _d = setup_inputs()
    print(jax.jit(kernel)(*tuple(_d.values())))

</pallas_src>

<mosaic_0001>
#map = affine_map<(d0, d1) -> (0, 0)>
#map1 = affine_map<(d0, d1) -> (0)>
#map2 = affine_map<(d0, d1) -> (0, 0, 0)>
module attributes {stable_mosaic.version = 14 : i64} {
  func.func @_sc_body(%arg0: i32, %arg1: i32, %arg2: memref<65536x256xf32, #tpu.memory_space<hbm>>, %arg3: memref<1024x128xf32, #tpu.memory_space<hbm>>, %arg4: memref<1024xi32, #tpu.memory_space<hbm>>, %arg5: memref<1000x49x256xf32, #tpu.memory_space<hbm>>, %arg6: memref<32xi32, #tpu.memory_space<vmem>>, %arg7: memref<32x128xf32, #tpu.memory_space<vmem>>, %arg8: memref<64xi32, #tpu.memory_space<vmem>>, %arg9: memref<64xi32, #tpu.memory_space<vmem>>, %arg10: memref<64xi32, #tpu.memory_space<vmem>>, %arg11: memref<64xi32, #tpu.memory_space<vmem>>, %arg12: memref<56x256xf32, #tpu.memory_space<vmem>>, %arg13: memref<56x256xf32, #tpu.memory_space<vmem>>, %arg14: memref<56x256xf32, #tpu.memory_space<vmem>>, %arg15: memref<56x256xf32, #tpu.memory_space<vmem>>, %arg16: memref<49x256xf32, #tpu.memory_space<vmem>>, %arg17: memref<!tpu.dma_semaphore, #tpu.memory_space<semaphore_mem>>) attributes {dimension_semantics = [#tpu.dimension_semantics<core_parallel>, #tpu.dimension_semantics<subcore_parallel>], iteration_bounds = array<i64: 2, 16>, scalar_prefetch = 0 : i64, scratch_operands = 12 : i64, tpu.core_type = #tpu.core_type<sc_vector_subcore>, window_params = [{transform_indices = #map}, {transform_indices = #map}, {transform_indices = #map1}, {transform_indices = #map2}]} {
    %mul3A = arith.constant 2 : i32
    %mul3A_0 = arith.muli %arg1, %mul3A : i32
    %add3A = arith.addi %mul3A_0, %arg0 : i32
    %mul3A_1 = arith.constant 32 : i32
    %mul3A_2 = arith.muli %add3A, %mul3A_1 : i32
    "tpu.region"() ({
      %run_scoped3A = tpu.sem_alloc : memref<!tpu.dma_semaphore, #tpu.memory_space<semaphore_mem>>
      %dma_start3A_14 = tpu.memref_slice %arg4[%mul3A_2] : memref<1024xi32, #tpu.memory_space<hbm>> -> memref<32xi32, #tpu.memory_space<hbm>>
      %dma_start3A_15 = tpu.memref_slice %arg4[%mul3A_2] : memref<1024xi32, #tpu.memory_space<hbm>> -> memref<32xi32, #tpu.memory_space<hbm>>
      tpu.enqueue_dma source(%dma_start3A_15 : memref<32xi32, #tpu.memory_space<hbm>>) target(%arg6 : memref<32xi32, #tpu.memory_space<vmem>>) target_semaphore(%run_scoped3A : memref<!tpu.dma_semaphore, #tpu.memory_space<semaphore_mem>>)
      %dma_wait3A_16 = tpu.memref_slice %arg4[%mul3A_2] : memref<1024xi32, #tpu.memory_space<hbm>> -> memref<32xi32, #tpu.memory_space<hbm>>
      %dma_wait3A_17 = tpu.memref_slice %arg4[%mul3A_2] : memref<1024xi32, #tpu.memory_space<hbm>> -> memref<32xi32, #tpu.memory_space<hbm>>
      tpu.wait_dma2 semaphore(%run_scoped3A : memref<!tpu.dma_semaphore, #tpu.memory_space<semaphore_mem>>) src(%dma_wait3A_17 : memref<32xi32, #tpu.memory_space<hbm>>) dst(%arg6 : memref<32xi32, #tpu.memory_space<vmem>>)
      tpu.yield
    }) : () -> ()
    %dma_start3A = arith.constant 0 : i32
    %dma_start3A_3 = arith.constant 0 : i32
    %dma_start3A_4 = tpu.memref_slice %arg3[%dma_start3A, %dma_start3A_3] : memref<1024x128xf32, #tpu.memory_space<hbm>> -> memref<1024x128xf32, #tpu.memory_space<hbm>>
    tpu.enqueue_indirect_dma source(%dma_start3A_4 : memref<1024x128xf32, #tpu.memory_space<hbm>>) target(%arg7 : memref<32x128xf32, #tpu.memory_space<vmem>>) offsets(%arg6 : memref<32xi32, #tpu.memory_space<vmem>>) semaphore(%arg17 : memref<!tpu.dma_semaphore, #tpu.memory_space<semaphore_mem>>)
    %dma_wait3A = arith.constant 0 : i32
    %dma_wait3A_5 = arith.constant 0 : i32
    %dma_wait3A_6 = tpu.memref_slice %arg3[%dma_wait3A, %dma_wait3A_5] : memref<1024x128xf32, #tpu.memory_space<hbm>> -> memref<1024x128xf32, #tpu.memory_space<hbm>>
    tpu.wait_indirect_dma semaphore(%arg17 : memref<!tpu.dma_semaphore, #tpu.memory_space<semaphore_mem>>) src(%dma_wait3A_6 : memref<1024x128xf32, #tpu.memory_space<hbm>>) dst(%arg7 : memref<32x128xf32, #tpu.memory_space<vmem>>)
    %sub3A = arith.constant 1000 : i32
    %sub3A_7 = arith.subi %sub3A, %mul3A_2 : i32
    %min3A = arith.constant 32 : i32
    %min3A_8 = arith.minsi %min3A, %sub3A_7 : i32
    %iota3A = tpu.iota {dimensions = array<i32: 0>} : vector<16xi32>
    %scan3A = arith.constant 0 : i32
    %scan3A_9 = arith.constant 0 : i32
    %scan3A_10 = arith.constant 32 : i32
    %scan3A_11 = arith.addi %scan3A_9, %scan3A_10 : i32
    %scan3A_12 = arith.constant 1 : i32
    scf.for %scan3A_14 = %scan3A_9 to %scan3A_11 step %scan3A_12  : i32 {
      %lt3A = arith.cmpi slt, %scan3A_14, %min3A_8 : i32
      %convert_element_type3A = arith.extui %lt3A : i1 to i32
      %cond3A = arith.constant 0 : i32
      %cond3A_15 = arith.cmpi ne, %convert_element_type3A, %cond3A : i32
      scf.if %cond3A_15 {
        %get3A = arith.index_cast %scan3A_14 : i32 to index
        %get3A_16 = arith.constant 0 : index
        %get3A_17 = tpu.vector_load %arg7[%get3A, %get3A_16] {strides = array<i32>} : memref<32x128xf32, #tpu.memory_space<vmem>>, vector<1x16xf32>,
        %get3A_18 = vector.shape_cast %get3A_17 : vector<1x16xf32> to vector<16xf32>
        %slice3A = vector.extract_strided_slice %get3A_18 {offsets = [0], sizes = [1], strides = [1]} : vector<16xf32> to vector<1xf32>
        %squeeze3A = vector.extract %slice3A[0] : f32 from vector<1xf32>
        %slice3A_19 = vector.extract_strided_slice %get3A_18 {offsets = [1], sizes = [1], strides = [1]} : vector<16xf32> to vector<1xf32>
        %squeeze3A_20 = vector.extract %slice3A_19[0] : f32 from vector<1xf32>
        %slice3A_21 = vector.extract_strided_slice %get3A_18 {offsets = [2], sizes = [1], strides = [1]} : vector<16xf32> to vector<1xf32>
        %squeeze3A_22 = vector.extract %slice3A_21[0] : f32 from vector<1xf32>
        %slice3A_23 = vector.extract_strided_slice %get3A_18 {offsets = [3], sizes = [1], strides = [1]} : vector<16xf32> to vector<1xf32>
        %squeeze3A_24 = vector.extract %slice3A_23[0] : f32 from vector<1xf32>
        %slice3A_25 = vector.extract_strided_slice %get3A_18 {offsets = [4], sizes = [1], strides = [1]} : vector<16xf32> to vector<1xf32>
        %squeeze3A_26 = vector.extract %slice3A_25[0] : f32 from vector<1xf32>
        %convert_element_type3A_27 = arith.fptosi %squeeze3A_26 : f32 to i32
        %add3A_28 = arith.constant 0 : i32
        %add3A_29 = vector.broadcast %add3A_28 : i32 to vector<16xi32>
        %add3A_30 = arith.addi %iota3A, %add3A_29 : vector<16xi32>
        %mul3A_31 = arith.constant 9363 : i32
        %mul3A_32 = vector.broadcast %mul3A_31 : i32 to vector<16xi32>
        %mul3A_33 = arith.muli %add3A_30, %mul3A_32 : vector<16xi32>
        %shift_right_logical3A = arith.constant 16 : i32
        %shift_right_logical3A_34 = vector.broadcast %shift_right_logical3A : i32 to vector<16xi32>
        %shift_right_logical3A_35 = arith.shrui %mul3A_33, %shift_right_logical3A_34 : vector<16xi32>
        %mul3A_36 = arith.constant 7 : i32
        %mul3A_37 = vector.broadcast %mul3A_36 : i32 to vector<16xi32>
        %mul3A_38 = arith.muli %shift_right_logical3A_35, %mul3A_37 : vector<16xi32>
        %sub3A_39 = arith.subi %add3A_30, %mul3A_38 : vector<16xi32>
        %convert_element_type3A_40 = arith.sitofp %shift_right_logical3A_35 : vector<16xi32> to vector<16xf32>
        %convert_element_type3A_41 = arith.sitofp %sub3A_39 : vector<16xi32> to vector<16xf32>
        %mul3A_42 = arith.constant 1.270000e+02 : f32
        %mul3A_43 = arith.mulf %squeeze3A, %mul3A_42 : f32
        %sub3A_44 = arith.subf %squeeze3A_22, %squeeze3A : f32
        %mul3A_45 = vector.broadcast %sub3A_44 : f32 to vector<16xf32>
        %mul3A_46 = arith.mulf %convert_element_type3A_40, %mul3A_45 : vector<16xf32>
        %mul3A_47 = arith.constant 21.166666 : f32
        %mul3A_48 = vector.broadcast %mul3A_47 : f32 to vector<16xf32>
        %mul3A_49 = arith.mulf %mul3A_46, %mul3A_48 : vector<16xf32>
        %add3A_50 = vector.broadcast %mul3A_43 : f32 to vector<16xf32>
        %add3A_51 = arith.addf %add3A_50, %mul3A_49 : vector<16xf32>
        %mul3A_52 = arith.constant 1.270000e+02 : f32
        %mul3A_53 = arith.mulf %squeeze3A_20, %mul3A_52 : f32
        %sub3A_54 = arith.subf %squeeze3A_24, %squeeze3A_20 : f32
        %mul3A_55 = vector.broadcast %sub3A_54 : f32 to vector<16xf32>
        %mul3A_56 = arith.mulf %convert_element_type3A_41, %mul3A_55 : vector<16xf32>
        %mul3A_57 = arith.constant 21.166666 : f32
        %mul3A_58 = vector.broadcast %mul3A_57 : f32 to vector<16xf32>
        %mul3A_59 = arith.mulf %mul3A_56, %mul3A_58 : vector<16xf32>
        %add3A_60 = vector.broadcast %mul3A_53 : f32 to vector<16xf32>
        %add3A_61 = arith.addf %add3A_60, %mul3A_59 : vector<16xf32>
        %ge3A = arith.constant 0.000000e+00 : f32
        %ge3A_62 = vector.broadcast %ge3A : f32 to vector<16xf32>
        %ge3A_63 = arith.cmpf oge, %add3A_51, %ge3A_62 : vector<16xf32>
        %le3A = arith.constant 1.270000e+02 : f32
        %le3A_64 = vector.broadcast %le3A : f32 to vector<16xf32>
        %le3A_65 = arith.cmpf ole, %add3A_51, %le3A_64 : vector<16xf32>
        %and3A = arith.andi %ge3A_63, %le3A_65 : vector<16xi1>
        %jit3A = arith.constant 1.000000e+00 : f32
        %jit3A_66 = arith.constant 0.000000e+00 : f32
        %broadcast_in_dim3A = vector.broadcast %jit3A : f32 to vector<16xf32>
        %broadcast_in_dim3A_67 = vector.broadcast %jit3A_66 : f32 to vector<16xf32>
        %select_n3A = arith.select %and3A, %broadcast_in_dim3A, %broadcast_in_dim3A_67 : vector<16xi1>, vector<16xf32>
        %ge3A_68 = arith.constant 0.000000e+00 : f32
        %ge3A_69 = vector.broadcast %ge3A_68 : f32 to vector<16xf32>
        %ge3A_70 = arith.cmpf oge, %add3A_61, %ge3A_69 : vector<16xf32>
        %le3A_71 = arith.constant 1.270000e+02 : f32
        %le3A_72 = vector.broadcast %le3A_71 : f32 to vector<16xf32>
        %le3A_73 = arith.cmpf ole, %add3A_61, %le3A_72 : vector<16xf32>
        %and3A_74 = arith.andi %ge3A_70, %le3A_73 : vector<16xi1>
        %jit3A_75 = arith.constant 1.000000e+00 : f32
        %jit3A_76 = arith.constant 0.000000e+00 : f32
        %broadcast_in_dim3A_77 = vector.broadcast %jit3A_75 : f32 to vector<16xf32>
        %broadcast_in_dim3A_78 = vector.broadcast %jit3A_76 : f32 to vector<16xf32>
        %select_n3A_79 = arith.select %and3A_74, %broadcast_in_dim3A_77, %broadcast_in_dim3A_78 : vector<16xi1>, vector<16xf32>
        %max3A = arith.constant 0.000000e+00 : f32
        %max3A_80 = vector.broadcast %max3A : f32 to vector<16xf32>
        %max3A_81 = arith.maximumf %add3A_51, %max3A_80 : vector<16xf32>
        %min3A_82 = arith.constant 1.270000e+02 : f32
        %min3A_83 = vector.broadcast %min3A_82 : f32 to vector<16xf32>
        %min3A_84 = arith.minimumf %max3A_81, %min3A_83 : vector<16xf32>
        %max3A_85 = arith.constant 0.000000e+00 : f32
        %max3A_86 = vector.broadcast %max3A_85 : f32 to vector<16xf32>
        %max3A_87 = arith.maximumf %add3A_61, %max3A_86 : vector<16xf32>
        %min3A_88 = arith.constant 1.270000e+02 : f32
        %min3A_89 = vector.broadcast %min3A_88 : f32 to vector<16xf32>
        %min3A_90 = arith.minimumf %max3A_87, %min3A_89 : vector<16xf32>
        %convert_element_type3A_91 = arith.fptosi %min3A_84 : vector<16xf32> to vector<16xi32>
        %convert_element_type3A_92 = arith.fptosi %min3A_90 : vector<16xf32> to vector<16xi32>
        %convert_element_type3A_93 = arith.sitofp %convert_element_type3A_91 : vector<16xi32> to vector<16xf32>
        %sub3A_94 = arith.subf %min3A_84, %convert_element_type3A_93 : vector<16xf32>
        %convert_element_type3A_95 = arith.sitofp %convert_element_type3A_92 : vector<16xi32> to vector<16xf32>
        %sub3A_96 = arith.subf %min3A_90, %convert_element_type3A_95 : vector<16xf32>
        %add3A_97 = arith.constant 1 : i32
        %add3A_98 = vector.broadcast %add3A_97 : i32 to vector<16xi32>
        %add3A_99 = arith.addi %convert_element_type3A_91, %add3A_98 : vector<16xi32>
        %min3A_100 = arith.constant 127 : i32
        %min3A_101 = vector.broadcast %min3A_100 : i32 to vector<16xi32>
        %min3A_102 = arith.minsi %add3A_99, %min3A_101 : vector<16xi32>
        %add3A_103 = arith.constant 1 : i32
        %add3A_104 = vector.broadcast %add3A_103 : i32 to vector<16xi32>
        %add3A_105 = arith.addi %convert_element_type3A_92, %add3A_104 : vector<16xi32>
        %min3A_106 = arith.constant 127 : i32
        %min3A_107 = vector.broadcast %min3A_106 : i32 to vector<16xi32>
        %min3A_108 = arith.minsi %add3A_105, %min3A_107 : vector<16xi32>
        %mul3A_109 = arith.constant 128 : i32
        %mul3A_110 = vector.broadcast %mul3A_109 : i32 to vector<16xi32>
        %mul3A_111 = arith.muli %convert_element_type3A_91, %mul3A_110 : vector<16xi32>
        %add3A_112 = vector.broadcast %convert_element_type3A_27 : i32 to vector<16xi32>
        %add3A_113 = arith.addi %add3A_112, %mul3A_111 : vector<16xi32>
        %mul3A_114 = arith.constant 128 : i32
        %mul3A_115 = vector.broadcast %mul3A_114 : i32 to vector<16xi32>
        %mul3A_116 = arith.muli %min3A_102, %mul3A_115 : vector<16xi32>
        %add3A_117 = vector.broadcast %convert_element_type3A_27 : i32 to vector<16xi32>
        %add3A_118 = arith.addi %add3A_117, %mul3A_116 : vector<16xi32>
        %add3A_119 = arith.addi %add3A_113, %convert_element_type3A_92 : vector<16xi32>
        %swap3A = arith.constant 0 : index
        %swap3A_120 = tpu.vector_load %arg8[%swap3A] {strides = array<i32>} : memref<64xi32, #tpu.memory_space<vmem>>, vector<16xi32>,
        %swap3A_121 = vector.shape_cast %swap3A_120 : vector<16xi32> to vector<16xi32>
        %swap3A_122 = vector.shape_cast %add3A_119 : vector<16xi32> to vector<16xi32>
        tpu.vector_store %arg8[%swap3A], %swap3A_122 {strides = array<i32>} : memref<64xi32, #tpu.memory_space<vmem>>, vector<16xi32>,
        %add3A_123 = arith.addi %add3A_113, %min3A_108 : vector<16xi32>
        %swap3A_124 = arith.constant 0 : index
        %swap3A_125 = tpu.vector_load %arg9[%swap3A_124] {strides = array<i32>} : memref<64xi32, #tpu.memory_space<vmem>>, vector<16xi32>,
        %swap3A_126 = vector.shape_cast %swap3A_125 : vector<16xi32> to vector<16xi32>
        %swap3A_127 = vector.shape_cast %add3A_123 : vector<16xi32> to vector<16xi32>
        tpu.vector_store %arg9[%swap3A_124], %swap3A_127 {strides = array<i32>} : memref<64xi32, #tpu.memory_space<vmem>>, vector<16xi32>,
        %add3A_128 = arith.addi %add3A_118, %convert_element_type3A_92 : vector<16xi32>
        %swap3A_129 = arith.constant 0 : index
        %swap3A_130 = tpu.vector_load %arg10[%swap3A_129] {strides = array<i32>} : memref<64xi32, #tpu.memory_space<vmem>>, vector<16xi32>,
        %swap3A_131 = vector.shape_cast %swap3A_130 : vector<16xi32> to vector<16xi32>
        %swap3A_132 = vector.shape_cast %add3A_128 : vector<16xi32> to vector<16xi32>
        tpu.vector_store %arg10[%swap3A_129], %swap3A_132 {strides = array<i32>} : memref<64xi32, #tpu.memory_space<vmem>>, vector<16xi32>,
        %add3A_133 = arith.addi %add3A_118, %min3A_108 : vector<16xi32>
        %swap3A_134 = arith.constant 0 : index
        %swap3A_135 = tpu.vector_load %arg11[%swap3A_134] {strides = array<i32>} : memref<64xi32, #tpu.memory_space<vmem>>, vector<16xi32>,
        %swap3A_136 = vector.shape_cast %swap3A_135 : vector<16xi32> to vector<16xi32>
        %swap3A_137 = vector.shape_cast %add3A_133 : vector<16xi32> to vector<16xi32>
        tpu.vector_store %arg11[%swap3A_134], %swap3A_137 {strides = array<i32>} : memref<64xi32, #tpu.memory_space<vmem>>, vector<16xi32>,
        %add3A_138 = arith.constant 16 : i32
        %add3A_139 = vector.broadcast %add3A_138 : i32 to vector<16xi32>
        %add3A_140 = arith.addi %iota3A, %add3A_139 : vector<16xi32>
        %mul3A_141 = arith.constant 9363 : i32
        %mul3A_142 = vector.broadcast %mul3A_141 : i32 to vector<16xi32>
        %mul3A_143 = arith.muli %add3A_140, %mul3A_142 : vector<16xi32>
        %shift_right_logical3A_144 = arith.constant 16 : i32
        %shift_right_logical3A_145 = vector.broadcast %shift_right_logical3A_144 : i32 to vector<16xi32>
        %shift_right_logical3A_146 = arith.shrui %mul3A_143, %shift_right_logical3A_145 : vector<16xi32>
        %mul3A_147 = arith.constant 7 : i32
        %mul3A_148 = vector.broadcast %mul3A_147 : i32 to vector<16xi32>
        %mul3A_149 = arith.muli %shift_right_logical3A_146, %mul3A_148 : vector<16xi32>
        %sub3A_150 = arith.subi %add3A_140, %mul3A_149 : vector<16xi32>
        %convert_element_type3A_151 = arith.sitofp %shift_right_logical3A_146 : vector<16xi32> to vector<16xf32>
        %convert_element_type3A_152 = arith.sitofp %sub3A_150 : vector<16xi32> to vector<16xf32>
        %mul3A_153 = arith.constant 1.270000e+02 : f32
        %mul3A_154 = arith.mulf %squeeze3A, %mul3A_153 : f32
        %sub3A_155 = arith.subf %squeeze3A_22, %squeeze3A : f32
        %mul3A_156 = vector.broadcast %sub3A_155 : f32 to vector<16xf32>
        %mul3A_157 = arith.mulf %convert_element_type3A_151, %mul3A_156 : vector<16xf32>
        %mul3A_158 = arith.constant 21.166666 : f32
        %mul3A_159 = vector.broadcast %mul3A_158 : f32 to vector<16xf32>
        %mul3A_160 = arith.mulf %mul3A_157, %mul3A_159 : vector<16xf32>
        %add3A_161 = vector.broadcast %mul3A_154 : f32 to vector<16xf32>
        %add3A_162 = arith.addf %add3A_161, %mul3A_160 : vector<16xf32>
        %mul3A_163 = arith.constant 1.270000e+02 : f32
        %mul3A_164 = arith.mulf %squeeze3A_20, %mul3A_163 : f32
        %sub3A_165 = arith.subf %squeeze3A_24, %squeeze3A_20 : f32
        %mul3A_166 = vector.broadcast %sub3A_165 : f32 to vector<16xf32>
        %mul3A_167 = arith.mulf %convert_element_type3A_152, %mul3A_166 : vector<16xf32>
        %mul3A_168 = arith.constant 21.166666 : f32
        %mul3A_169 = vector.broadcast %mul3A_168 : f32 to vector<16xf32>
        %mul3A_170 = arith.mulf %mul3A_167, %mul3A_169 : vector<16xf32>
        %add3A_171 = vector.broadcast %mul3A_164 : f32 to vector<16xf32>
        %add3A_172 = arith.addf %add3A_171, %mul3A_170 : vector<16xf32>
        %ge3A_173 = arith.constant 0.000000e+00 : f32
        %ge3A_174 = vector.broadcast %ge3A_173 : f32 to vector<16xf32>
        %ge3A_175 = arith.cmpf oge, %add3A_162, %ge3A_174 : vector<16xf32>
        %le3A_176 = arith.constant 1.270000e+02 : f32
        %le3A_177 = vector.broadcast %le3A_176 : f32 to vector<16xf32>
        %le3A_178 = arith.cmpf ole, %add3A_162, %le3A_177 : vector<16xf32>
        %and3A_179 = arith.andi %ge3A_175, %le3A_178 : vector<16xi1>
        %jit3A_180 = arith.constant 1.000000e+00 : f32
        %jit3A_181 = arith.constant 0.000000e+00 : f32
        %broadcast_in_dim3A_182 = vector.broadcast %jit3A_180 : f32 to vector<16xf32>
        %broadcast_in_dim3A_183 = vector.broadcast %jit3A_181 : f32 to vector<16xf32>
        %select_n3A_184 = arith.select %and3A_179, %broadcast_in_dim3A_182, %broadcast_in_dim3A_183 : vector<16xi1>, vector<16xf32>
        %ge3A_185 = arith.constant 0.000000e+00 : f32
        %ge3A_186 = vector.broadcast %ge3A_185 : f32 to vector<16xf32>
        %ge3A_187 = arith.cmpf oge, %add3A_172, %ge3A_186 : vector<16xf32>
        %le3A_188 = arith.constant 1.270000e+02 : f32
        %le3A_189 = vector.broadcast %le3A_188 : f32 to vector<16xf32>
        %le3A_190 = arith.cmpf ole, %add3A_172, %le3A_189 : vector<16xf32>
        %and3A_191 = arith.andi %ge3A_187, %le3A_190 : vector<16xi1>
        %jit3A_192 = arith.constant 1.000000e+00 : f32
        %jit3A_193 = arith.constant 0.000000e+00 : f32
        %broadcast_in_dim3A_194 = vector.broadcast %jit3A_192 : f32 to vector<16xf32>
        %broadcast_in_dim3A_195 = vector.broadcast %jit3A_193 : f32 to vector<16xf32>
        %select_n3A_196 = arith.select %and3A_191, %broadcast_in_dim3A_194, %broadcast_in_dim3A_195 : vector<16xi1>, vector<16xf32>
        %max3A_197 = arith.constant 0.000000e+00 : f32
        %max3A_198 = vector.broadcast %max3A_197 : f32 to vector<16xf32>
        %max3A_199 = arith.maximumf %add3A_162, %max3A_198 : vector<16xf32>
        %min3A_200 = arith.constant 1.270000e+02 : f32
        %min3A_201 = vector.broadcast %min3A_200 : f32 to vector<16xf32>
        %min3A_202 = arith.minimumf %max3A_199, %min3A_201 : vector<16xf32>
        %max3A_203 = arith.constant 0.000000e+00 : f32
        %max3A_204 = vector.broadcast %max3A_203 : f32 to vector<16xf32>
        %max3A_205 = arith.maximumf %add3A_172, %max3A_204 : vector<16xf32>
        %min3A_206 = arith.constant 1.270000e+02 : f32
        %min3A_207 = vector.broadcast %min3A_206 : f32 to vector<16xf32>
        %min3A_208 = arith.minimumf %max3A_205, %min3A_207 : vector<16xf32>
        %convert_element_type3A_209 = arith.fptosi %min3A_202 : vector<16xf32> to vector<16xi32>
        %convert_element_type3A_210 = arith.fptosi %min3A_208 : vector<16xf32> to vector<16xi32>
        %convert_element_type3A_211 = arith.sitofp %convert_element_type3A_209 : vector<16xi32> to vector<16xf32>
        %sub3A_212 = arith.subf %min3A_202, %convert_element_type3A_211 : vector<16xf32>
        %convert_element_type3A_213 = arith.sitofp %convert_element_type3A_210 : vector<16xi32> to vector<16xf32>
        %sub3A_214 = arith.subf %min3A_208, %convert_element_type3A_213 : vector<16xf32>
        %add3A_215 = arith.constant 1 : i32
        %add3A_216 = vector.broadcast %add3A_215 : i32 to vector<16xi32>
        %add3A_217 = arith.addi %convert_element_type3A_209, %add3A_216 : vector<16xi32>
        %min3A_218 = arith.constant 127 : i32
        %min3A_219 = vector.broadcast %min3A_218 : i32 to vector<16xi32>
        %min3A_220 = arith.minsi %add3A_217, %min3A_219 : vector<16xi32>
        %add3A_221 = arith.constant 1 : i32
        %add3A_222 = vector.broadcast %add3A_221 : i32 to vector<16xi32>
        %add3A_223 = arith.addi %convert_element_type3A_210, %add3A_222 : vector<16xi32>
        %min3A_224 = arith.constant 127 : i32
        %min3A_225 = vector.broadcast %min3A_224 : i32 to vector<16xi32>
        %min3A_226 = arith.minsi %add3A_223, %min3A_225 : vector<16xi32>
        %mul3A_227 = arith.constant 128 : i32
        %mul3A_228 = vector.broadcast %mul3A_227 : i32 to vector<16xi32>
        %mul3A_229 = arith.muli %convert_element_type3A_209, %mul3A_228 : vector<16xi32>
        %add3A_230 = vector.broadcast %convert_element_type3A_27 : i32 to vector<16xi32>
        %add3A_231 = arith.addi %add3A_230, %mul3A_229 : vector<16xi32>
        %mul3A_232 = arith.constant 128 : i32
        %mul3A_233 = vector.broadcast %mul3A_232 : i32 to vector<16xi32>
        %mul3A_234 = arith.muli %min3A_220, %mul3A_233 : vector<16xi32>
        %add3A_235 = vector.broadcast %convert_element_type3A_27 : i32 to vector<16xi32>
        %add3A_236 = arith.addi %add3A_235, %mul3A_234 : vector<16xi32>
        %add3A_237 = arith.addi %add3A_231, %convert_element_type3A_210 : vector<16xi32>
        %swap3A_238 = arith.constant 16 : index
        %swap3A_239 = tpu.vector_load %arg8[%swap3A_238] {strides = array<i32>} : memref<64xi32, #tpu.memory_space<vmem>>, vector<16xi32>,
        %swap3A_240 = vector.shape_cast %swap3A_239 : vector<16xi32> to vector<16xi32>
        %swap3A_241 = vector.shape_cast %add3A_237 : vector<16xi32> to vector<16xi32>
        tpu.vector_store %arg8[%swap3A_238], %swap3A_241 {strides = array<i32>} : memref<64xi32, #tpu.memory_space<vmem>>, vector<16xi32>,
        %add3A_242 = arith.addi %add3A_231, %min3A_226 : vector<16xi32>
        %swap3A_243 = arith.constant 16 : index
        %swap3A_244 = tpu.vector_load %arg9[%swap3A_243] {strides = array<i32>} : memref<64xi32, #tpu.memory_space<vmem>>, vector<16xi32>,
        %swap3A_245 = vector.shape_cast %swap3A_244 : vector<16xi32> to vector<16xi32>
        %swap3A_246 = vector.shape_cast %add3A_242 : vector<16xi32> to vector<16xi32>
        tpu.vector_store %arg9[%swap3A_243], %swap3A_246 {strides = array<i32>} : memref<64xi32, #tpu.memory_space<vmem>>, vector<16xi32>,
        %add3A_247 = arith.addi %add3A_236, %convert_element_type3A_210 : vector<16xi32>
        %swap3A_248 = arith.constant 16 : index
        %swap3A_249 = tpu.vector_load %arg10[%swap3A_248] {strides = array<i32>} : memref<64xi32, #tpu.memory_space<vmem>>, vector<16xi32>,
        %swap3A_250 = vector.shape_cast %swap3A_249 : vector<16xi32> to vector<16xi32>
        %swap3A_251 = vector.shape_cast %add3A_247 : vector<16xi32> to vector<16xi32>
        tpu.vector_store %arg10[%swap3A_248], %swap3A_251 {strides = array<i32>} : memref<64xi32, #tpu.memory_space<vmem>>, vector<16xi32>,
        %add3A_252 = arith.addi %add3A_236, %min3A_226 : vector<16xi32>
        %swap3A_253 = arith.constant 16 : index
        %swap3A_254 = tpu.vector_load %arg11[%swap3A_253] {strides = array<i32>} : memref<64xi32, #tpu.memory_space<vmem>>, vector<16xi32>,
        %swap3A_255 = vector.shape_cast %swap3A_254 : vector<16xi32> to vector<16xi32>
        %swap3A_256 = vector.shape_cast %add3A_252 : vector<16xi32> to vector<16xi32>
        tpu.vector_store %arg11[%swap3A_253], %swap3A_256 {strides = array<i32>} : memref<64xi32, #tpu.memory_space<vmem>>, vector<16xi32>,
        %add3A_257 = arith.constant 32 : i32
        %add3A_258 = vector.broadcast %add3A_257 : i32 to vector<16xi32>
        %add3A_259 = arith.addi %iota3A, %add3A_258 : vector<16xi32>
        %mul3A_260 = arith.constant 9363 : i32
        %mul3A_261 = vector.broadcast %mul3A_260 : i32 to vector<16xi32>
        %mul3A_262 = arith.muli %add3A_259, %mul3A_261 : vector<16xi32>
        %shift_right_logical3A_263 = arith.constant 16 : i32
        %shift_right_logical3A_264 = vector.broadcast %shift_right_logical3A_263 : i32 to vector<16xi32>
        %shift_right_logical3A_265 = arith.shrui %mul3A_262, %shift_right_logical3A_264 : vector<16xi32>
        %mul3A_266 = arith.constant 7 : i32
        %mul3A_267 = vector.broadcast %mul3A_266 : i32 to vector<16xi32>
        %mul3A_268 = arith.muli %shift_right_logical3A_265, %mul3A_267 : vector<16xi32>
        %sub3A_269 = arith.subi %add3A_259, %mul3A_268 : vector<16xi32>
        %convert_element_type3A_270 = arith.sitofp %shift_right_logical3A_265 : vector<16xi32> to vector<16xf32>
        %convert_element_type3A_271 = arith.sitofp %sub3A_269 : vector<16xi32> to vector<16xf32>
        %mul3A_272 = arith.constant 1.270000e+02 : f32
        %mul3A_273 = arith.mulf %squeeze3A, %mul3A_272 : f32
        %sub3A_274 = arith.subf %squeeze3A_22, %squeeze3A : f32
        %mul3A_275 = vector.broadcast %sub3A_274 : f32 to vector<16xf32>
        %mul3A_276 = arith.mulf %convert_element_type3A_270, %mul3A_275 : vector<16xf32>
        %mul3A_277 = arith.constant 21.166666 : f32
        %mul3A_278 = vector.broadcast %mul3A_277 : f32 to vector<16xf32>
        %mul3A_279 = arith.mulf %mul3A_276, %mul3A_278 : vector<16xf32>
        %add3A_280 = vector.broadcast %mul3A_273 : f32 to vector<16xf32>
        %add3A_281 = arith.addf %add3A_280, %mul3A_279 : vector<16xf32>
        %mul3A_282 = arith.constant 1.270000e+02 : f32
        %mul3A_283 = arith.mulf %squeeze3A_20, %mul3A_282 : f32
        %sub3A_284 = arith.subf %squeeze3A_24, %squeeze3A_20 : f32
        %mul3A_285 = vector.broadcast %sub3A_284 : f32 to vector<16xf32>
        %mul3A_286 = arith.mulf %convert_element_type3A_271, %mul3A_285 : vector<16xf32>
        %mul3A_287 = arith.constant 21.166666 : f32
        %mul3A_288 = vector.broadcast %mul3A_287 : f32 to vector<16xf32>
        %mul3A_289 = arith.mulf %mul3A_286, %mul3A_288 : vector<16xf32>
        %add3A_290 = vector.broadcast %mul3A_283 : f32 to vector<16xf32>
        %add3A_291 = arith.addf %add3A_290, %mul3A_289 : vector<16xf32>
        %ge3A_292 = arith.constant 0.000000e+00 : f32
        %ge3A_293 = vector.broadcast %ge3A_292 : f32 to vector<16xf32>
        %ge3A_294 = arith.cmpf oge, %add3A_281, %ge3A_293 : vector<16xf32>
        %le3A_295 = arith.constant 1.270000e+02 : f32
        %le3A_296 = vector.broadcast %le3A_295 : f32 to vector<16xf32>
        %le3A_297 = arith.cmpf ole, %add3A_281, %le3A_296 : vector<16xf32>
        %and3A_298 = arith.andi %ge3A_294, %le3A_297 : vector<16xi1>
        %jit3A_299 = arith.constant 1.000000e+00 : f32
        %jit3A_300 = arith.constant 0.000000e+00 : f32
        %broadcast_in_dim3A_301 = vector.broadcast %jit3A_299 : f32 to vector<16xf32>
        %broadcast_in_dim3A_302 = vector.broadcast %jit3A_300 : f32 to vector<16xf32>
        %select_n3A_303 = arith.select %and3A_298, %broadcast_in_dim3A_301, %broadcast_in_dim3A_302 : vector<16xi1>, vector<16xf32>
        %ge3A_304 = arith.constant 0.000000e+00 : f32
        %ge3A_305 = vector.broadcast %ge3A_304 : f32 to vector<16xf32>
        %ge3A_306 = arith.cmpf oge, %add3A_291, %ge3A_305 : vector<16xf32>
        %le3A_307 = arith.constant 1.270000e+02 : f32
        %le3A_308 = vector.broadcast %le3A_307 : f32 to vector<16xf32>
        %le3A_309 = arith.cmpf ole, %add3A_291, %le3A_308 : vector<16xf32>
        %and3A_310 = arith.andi %ge3A_306, %le3A_309 : vector<16xi1>
        %jit3A_311 = arith.constant 1.000000e+00 : f32
        %jit3A_312 = arith.constant 0.000000e+00 : f32
        %broadcast_in_dim3A_313 = vector.broadcast %jit3A_311 : f32 to vector<16xf32>
        %broadcast_in_dim3A_314 = vector.broadcast %jit3A_312 : f32 to vector<16xf32>
        %select_n3A_315 = arith.select %and3A_310, %broadcast_in_dim3A_313, %broadcast_in_dim3A_314 : vector<16xi1>, vector<16xf32>
        %max3A_316 = arith.constant 0.000000e+00 : f32
        %max3A_317 = vector.broadcast %max3A_316 : f32 to vector<16xf32>
        %max3A_318 = arith.maximumf %add3A_281, %max3A_317 : vector<16xf32>
        %min3A_319 = arith.constant 1.270000e+02 : f32
        %min3A_320 = vector.broadcast %min3A_319 : f32 to vector<16xf32>
        %min3A_321 = arith.minimumf %max3A_318, %min3A_320 : vector<16xf32>
        %max3A_322 = arith.constant 0.000000e+00 : f32
        %max3A_323 = vector.broadcast %max3A_322 : f32 to vector<16xf32>
        %max3A_324 = arith.maximumf %add3A_291, %max3A_323 : vector<16xf32>
        %min3A_325 = arith.constant 1.270000e+02 : f32
        %min3A_326 = vector.broadcast %min3A_325 : f32 to vector<16xf32>
        %min3A_327 = arith.minimumf %max3A_324, %min3A_326 : vector<16xf32>
        %convert_element_type3A_328 = arith.fptosi %min3A_321 : vector<16xf32> to vector<16xi32>
        %convert_element_type3A_329 = arith.fptosi %min3A_327 : vector<16xf32> to vector<16xi32>
        %convert_element_type3A_330 = arith.sitofp %convert_element_type3A_328 : vector<16xi32> to vector<16xf32>
        %sub3A_331 = arith.subf %min3A_321, %convert_element_type3A_330 : vector<16xf32>
        %convert_element_type3A_332 = arith.sitofp %convert_element_type3A_329 : vector<16xi32> to vector<16xf32>
        %sub3A_333 = arith.subf %min3A_327, %convert_element_type3A_332 : vector<16xf32>
        %add3A_334 = arith.constant 1 : i32
        %add3A_335 = vector.broadcast %add3A_334 : i32 to vector<16xi32>
        %add3A_336 = arith.addi %convert_element_type3A_328, %add3A_335 : vector<16xi32>
        %min3A_337 = arith.constant 127 : i32
        %min3A_338 = vector.broadcast %min3A_337 : i32 to vector<16xi32>
        %min3A_339 = arith.minsi %add3A_336, %min3A_338 : vector<16xi32>
        %add3A_340 = arith.constant 1 : i32
        %add3A_341 = vector.broadcast %add3A_340 : i32 to vector<16xi32>
        %add3A_342 = arith.addi %convert_element_type3A_329, %add3A_341 : vector<16xi32>
        %min3A_343 = arith.constant 127 : i32
        %min3A_344 = vector.broadcast %min3A_343 : i32 to vector<16xi32>
        %min3A_345 = arith.minsi %add3A_342, %min3A_344 : vector<16xi32>
        %mul3A_346 = arith.constant 128 : i32
        %mul3A_347 = vector.broadcast %mul3A_346 : i32 to vector<16xi32>
        %mul3A_348 = arith.muli %convert_element_type3A_328, %mul3A_347 : vector<16xi32>
        %add3A_349 = vector.broadcast %convert_element_type3A_27 : i32 to vector<16xi32>
        %add3A_350 = arith.addi %add3A_349, %mul3A_348 : vector<16xi32>
        %mul3A_351 = arith.constant 128 : i32
        %mul3A_352 = vector.broadcast %mul3A_351 : i32 to vector<16xi32>
        %mul3A_353 = arith.muli %min3A_339, %mul3A_352 : vector<16xi32>
        %add3A_354 = vector.broadcast %convert_element_type3A_27 : i32 to vector<16xi32>
        %add3A_355 = arith.addi %add3A_354, %mul3A_353 : vector<16xi32>
        %add3A_356 = arith.addi %add3A_350, %convert_element_type3A_329 : vector<16xi32>
        %swap3A_357 = arith.constant 32 : index
        %swap3A_358 = tpu.vector_load %arg8[%swap3A_357] {strides = array<i32>} : memref<64xi32, #tpu.memory_space<vmem>>, vector<16xi32>,
        %swap3A_359 = vector.shape_cast %swap3A_358 : vector<16xi32> to vector<16xi32>
        %swap3A_360 = vector.shape_cast %add3A_356 : vector<16xi32> to vector<16xi32>
        tpu.vector_store %arg8[%swap3A_357], %swap3A_360 {strides = array<i32>} : memref<64xi32, #tpu.memory_space<vmem>>, vector<16xi32>,
        %add3A_361 = arith.addi %add3A_350, %min3A_345 : vector<16xi32>
        %swap3A_362 = arith.constant 32 : index
        %swap3A_363 = tpu.vector_load %arg9[%swap3A_362] {strides = array<i32>} : memref<64xi32, #tpu.memory_space<vmem>>, vector<16xi32>,
        %swap3A_364 = vector.shape_cast %swap3A_363 : vector<16xi32> to vector<16xi32>
        %swap3A_365 = vector.shape_cast %add3A_361 : vector<16xi32> to vector<16xi32>
        tpu.vector_store %arg9[%swap3A_362], %swap3A_365 {strides = array<i32>} : memref<64xi32, #tpu.memory_space<vmem>>, vector<16xi32>,
        %add3A_366 = arith.addi %add3A_355, %convert_element_type3A_329 : vector<16xi32>
        %swap3A_367 = arith.constant 32 : index
        %swap3A_368 = tpu.vector_load %arg10[%swap3A_367] {strides = array<i32>} : memref<64xi32, #tpu.memory_space<vmem>>, vector<16xi32>,
        %swap3A_369 = vector.shape_cast %swap3A_368 : vector<16xi32> to vector<16xi32>
        %swap3A_370 = vector.shape_cast %add3A_366 : vector<16xi32> to vector<16xi32>
        tpu.vector_store %arg10[%swap3A_367], %swap3A_370 {strides = array<i32>} : memref<64xi32, #tpu.memory_space<vmem>>, vector<16xi32>,
        %add3A_371 = arith.addi %add3A_355, %min3A_345 : vector<16xi32>
        %swap3A_372 = arith.constant 32 : index
        %swap3A_373 = tpu.vector_load %arg11[%swap3A_372] {strides = array<i32>} : memref<64xi32, #tpu.memory_space<vmem>>, vector<16xi32>,
        %swap3A_374 = vector.shape_cast %swap3A_373 : vector<16xi32> to vector<16xi32>
        %swap3A_375 = vector.shape_cast %add3A_371 : vector<16xi32> to vector<16xi32>
        tpu.vector_store %arg11[%swap3A_372], %swap3A_375 {strides = array<i32>} : memref<64xi32, #tpu.memory_space<vmem>>, vector<16xi32>,
        %add3A_376 = arith.constant 48 : i32
        %add3A_377 = vector.broadcast %add3A_376 : i32 to vector<16xi32>
        %add3A_378 = arith.addi %iota3A, %add3A_377 : vector<16xi32>
        %mul3A_379 = arith.constant 9363 : i32
        %mul3A_380 = vector.broadcast %mul3A_379 : i32 to vector<16xi32>
        %mul3A_381 = arith.muli %add3A_378, %mul3A_380 : vector<16xi32>
        %shift_right_logical3A_382 = arith.constant 16 : i32
        %shift_right_logical3A_383 = vector.broadcast %shift_right_logical3A_382 : i32 to vector<16xi32>
        %shift_right_logical3A_384 = arith.shrui %mul3A_381, %shift_right_logical3A_383 : vector<16xi32>
        %mul3A_385 = arith.constant 7 : i32
        %mul3A_386 = vector.broadcast %mul3A_385 : i32 to vector<16xi32>
        %mul3A_387 = arith.muli %shift_right_logical3A_384, %mul3A_386 : vector<16xi32>
        %sub3A_388 = arith.subi %add3A_378, %mul3A_387 : vector<16xi32>
        %convert_element_type3A_389 = arith.sitofp %shift_right_logical3A_384 : vector<16xi32> to vector<16xf32>
        %convert_element_type3A_390 = arith.sitofp %sub3A_388 : vector<16xi32> to vector<16xf32>
        %mul3A_391 = arith.constant 1.270000e+02 : f32
        %mul3A_392 = arith.mulf %squeeze3A, %mul3A_391 : f32
        %sub3A_393 = arith.subf %squeeze3A_22, %squeeze3A : f32
        %mul3A_394 = vector.broadcast %sub3A_393 : f32 to vector<16xf32>
        %mul3A_395 = arith.mulf %convert_element_type3A_389, %mul3A_394 : vector<16xf32>
        %mul3A_396 = arith.constant 21.166666 : f32
        %mul3A_397 = vector.broadcast %mul3A_396 : f32 to vector<16xf32>
        %mul3A_398 = arith.mulf %mul3A_395, %mul3A_397 : vector<16xf32>
        %add3A_399 = vector.broadcast %mul3A_392 : f32 to vector<16xf32>
        %add3A_400 = arith.addf %add3A_399, %mul3A_398 : vector<16xf32>
        %mul3A_401 = arith.constant 1.270000e+02 : f32
        %mul3A_402 = arith.mulf %squeeze3A_20, %mul3A_401 : f32
        %sub3A_403 = arith.subf %squeeze3A_24, %squeeze3A_20 : f32
        %mul3A_404 = vector.broadcast %sub3A_403 : f32 to vector<16xf32>
        %mul3A_405 = arith.mulf %convert_element_type3A_390, %mul3A_404 : vector<16xf32>
        %mul3A_406 = arith.constant 21.166666 : f32
        %mul3A_407 = vector.broadcast %mul3A_406 : f32 to vector<16xf32>
        %mul3A_408 = arith.mulf %mul3A_405, %mul3A_407 : vector<16xf32>
        %add3A_409 = vector.broadcast %mul3A_402 : f32 to vector<16xf32>
        %add3A_410 = arith.addf %add3A_409, %mul3A_408 : vector<16xf32>
        %ge3A_411 = arith.constant 0.000000e+00 : f32
        %ge3A_412 = vector.broadcast %ge3A_411 : f32 to vector<16xf32>
        %ge3A_413 = arith.cmpf oge, %add3A_400, %ge3A_412 : vector<16xf32>
        %le3A_414 = arith.constant 1.270000e+02 : f32
        %le3A_415 = vector.broadcast %le3A_414 : f32 to vector<16xf32>
        %le3A_416 = arith.cmpf ole, %add3A_400, %le3A_415 : vector<16xf32>
        %and3A_417 = arith.andi %ge3A_413, %le3A_416 : vector<16xi1>
        %jit3A_418 = arith.constant 1.000000e+00 : f32
        %jit3A_419 = arith.constant 0.000000e+00 : f32
        %broadcast_in_dim3A_420 = vector.broadcast %jit3A_418 : f32 to vector<16xf32>
        %broadcast_in_dim3A_421 = vector.broadcast %jit3A_419 : f32 to vector<16xf32>
        %select_n3A_422 = arith.select %and3A_417, %broadcast_in_dim3A_420, %broadcast_in_dim3A_421 : vector<16xi1>, vector<16xf32>
        %ge3A_423 = arith.constant 0.000000e+00 : f32
        %ge3A_424 = vector.broadcast %ge3A_423 : f32 to vector<16xf32>
        %ge3A_425 = arith.cmpf oge, %add3A_410, %ge3A_424 : vector<16xf32>
        %le3A_426 = arith.constant 1.270000e+02 : f32
        %le3A_427 = vector.broadcast %le3A_426 : f32 to vector<16xf32>
        %le3A_428 = arith.cmpf ole, %add3A_410, %le3A_427 : vector<16xf32>
        %and3A_429 = arith.andi %ge3A_425, %le3A_428 : vector<16xi1>
        %jit3A_430 = arith.constant 1.000000e+00 : f32
        %jit3A_431 = arith.constant 0.000000e+00 : f32
        %broadcast_in_dim3A_432 = vector.broadcast %jit3A_430 : f32 to vector<16xf32>
        %broadcast_in_dim3A_433 = vector.broadcast %jit3A_431 : f32 to vector<16xf32>
        %select_n3A_434 = arith.select %and3A_429, %broadcast_in_dim3A_432, %broadcast_in_dim3A_433 : vector<16xi1>, vector<16xf32>
        %max3A_435 = arith.constant 0.000000e+00 : f32
        %max3A_436 = vector.broadcast %max3A_435 : f32 to vector<16xf32>
        %max3A_437 = arith.maximumf %add3A_400, %max3A_436 : vector<16xf32>
        %min3A_438 = arith.constant 1.270000e+02 : f32
        %min3A_439 = vector.broadcast %min3A_438 : f32 to vector<16xf32>
        %min3A_440 = arith.minimumf %max3A_437, %min3A_439 : vector<16xf32>
        %max3A_441 = arith.constant 0.000000e+00 : f32
        %max3A_442 = vector.broadcast %max3A_441 : f32 to vector<16xf32>
        %max3A_443 = arith.maximumf %add3A_410, %max3A_442 : vector<16xf32>
        %min3A_444 = arith.constant 1.270000e+02 : f32
        %min3A_445 = vector.broadcast %min3A_444 : f32 to vector<16xf32>
        %min3A_446 = arith.minimumf %max3A_443, %min3A_445 : vector<16xf32>
        %convert_element_type3A_447 = arith.fptosi %min3A_440 : vector<16xf32> to vector<16xi32>
        %convert_element_type3A_448 = arith.fptosi %min3A_446 : vector<16xf32> to vector<16xi32>
        %convert_element_type3A_449 = arith.sitofp %convert_element_type3A_447 : vector<16xi32> to vector<16xf32>
        %sub3A_450 = arith.subf %min3A_440, %convert_element_type3A_449 : vector<16xf32>
        %convert_element_type3A_451 = arith.sitofp %convert_element_type3A_448 : vector<16xi32> to vector<16xf32>
        %sub3A_452 = arith.subf %min3A_446, %convert_element_type3A_451 : vector<16xf32>
        %add3A_453 = arith.constant 1 : i32
        %add3A_454 = vector.broadcast %add3A_453 : i32 to vector<16xi32>
        %add3A_455 = arith.addi %convert_element_type3A_447, %add3A_454 : vector<16xi32>
        %min3A_456 = arith.constant 127 : i32
        %min3A_457 = vector.broadcast %min3A_456 : i32 to vector<16xi32>
        %min3A_458 = arith.minsi %add3A_455, %min3A_457 : vector<16xi32>
        %add3A_459 = arith.constant 1 : i32
        %add3A_460 = vector.broadcast %add3A_459 : i32 to vector<16xi32>
        %add3A_461 = arith.addi %convert_element_type3A_448, %add3A_460 : vector<16xi32>
        %min3A_462 = arith.constant 127 : i32
        %min3A_463 = vector.broadcast %min3A_462 : i32 to vector<16xi32>
        %min3A_464 = arith.minsi %add3A_461, %min3A_463 : vector<16xi32>
        %mul3A_465 = arith.constant 128 : i32
        %mul3A_466 = vector.broadcast %mul3A_465 : i32 to vector<16xi32>
        %mul3A_467 = arith.muli %convert_element_type3A_447, %mul3A_466 : vector<16xi32>
        %add3A_468 = vector.broadcast %convert_element_type3A_27 : i32 to vector<16xi32>
        %add3A_469 = arith.addi %add3A_468, %mul3A_467 : vector<16xi32>
        %mul3A_470 = arith.constant 128 : i32
        %mul3A_471 = vector.broadcast %mul3A_470 : i32 to vector<16xi32>
        %mul3A_472 = arith.muli %min3A_458, %mul3A_471 : vector<16xi32>
        %add3A_473 = vector.broadcast %convert_element_type3A_27 : i32 to vector<16xi32>
        %add3A_474 = arith.addi %add3A_473, %mul3A_472 : vector<16xi32>
        %add3A_475 = arith.addi %add3A_469, %convert_element_type3A_448 : vector<16xi32>
        %swap3A_476 = arith.constant 48 : index
        %swap3A_477 = tpu.vector_load %arg8[%swap3A_476] {strides = array<i32>} : memref<64xi32, #tpu.memory_space<vmem>>, vector<16xi32>,
        %swap3A_478 = vector.shape_cast %swap3A_477 : vector<16xi32> to vector<16xi32>
        %swap3A_479 = vector.shape_cast %add3A_475 : vector<16xi32> to vector<16xi32>
        tpu.vector_store %arg8[%swap3A_476], %swap3A_479 {strides = array<i32>} : memref<64xi32, #tpu.memory_space<vmem>>, vector<16xi32>,
        %add3A_480 = arith.addi %add3A_469, %min3A_464 : vector<16xi32>
        %swap3A_481 = arith.constant 48 : index
        %swap3A_482 = tpu.vector_load %arg9[%swap3A_481] {strides = array<i32>} : memref<64xi32, #tpu.memory_space<vmem>>, vector<16xi32>,
        %swap3A_483 = vector.shape_cast %swap3A_482 : vector<16xi32> to vector<16xi32>
        %swap3A_484 = vector.shape_cast %add3A_480 : vector<16xi32> to vector<16xi32>
        tpu.vector_store %arg9[%swap3A_481], %swap3A_484 {strides = array<i32>} : memref<64xi32, #tpu.memory_space<vmem>>, vector<16xi32>,
        %add3A_485 = arith.addi %add3A_474, %convert_element_type3A_448 : vector<16xi32>
        %swap3A_486 = arith.constant 48 : index
        %swap3A_487 = tpu.vector_load %arg10[%swap3A_486] {strides = array<i32>} : memref<64xi32, #tpu.memory_space<vmem>>, vector<16xi32>,
        %swap3A_488 = vector.shape_cast %swap3A_487 : vector<16xi32> to vector<16xi32>
        %swap3A_489 = vector.shape_cast %add3A_485 : vector<16xi32> to vector<16xi32>
        tpu.vector_store %arg10[%swap3A_486], %swap3A_489 {strides = array<i32>} : memref<64xi32, #tpu.memory_space<vmem>>, vector<16xi32>,
        %add3A_490 = arith.addi %add3A_474, %min3A_464 : vector<16xi32>
        %swap3A_491 = arith.constant 48 : index
        %swap3A_492 = tpu.vector_load %arg11[%swap3A_491] {strides = array<i32>} : memref<64xi32, #tpu.memory_space<vmem>>, vector<16xi32>,
        %swap3A_493 = vector.shape_cast %swap3A_492 : vector<16xi32> to vector<16xi32>
        %swap3A_494 = vector.shape_cast %add3A_490 : vector<16xi32> to vector<16xi32>
        tpu.vector_store %arg11[%swap3A_491], %swap3A_494 {strides = array<i32>} : memref<64xi32, #tpu.memory_space<vmem>>, vector<16xi32>,
        %dma_start3A_495 = arith.constant 0 : i32
        %dma_start3A_496 = tpu.memref_slice %arg8[%dma_start3A_495] : memref<64xi32, #tpu.memory_space<vmem>> -> memref<56xi32, #tpu.memory_space<vmem>>
        %dma_start3A_497 = arith.constant 0 : i32
        %dma_start3A_498 = arith.constant 0 : i32
        %dma_start3A_499 = tpu.memref_slice %arg2[%dma_start3A_497, %dma_start3A_498] : memref<65536x256xf32, #tpu.memory_space<hbm>> -> memref<65536x256xf32, #tpu.memory_space<hbm>>
        tpu.enqueue_indirect_dma source(%dma_start3A_499 : memref<65536x256xf32, #tpu.memory_space<hbm>>) target(%arg12 : memref<56x256xf32, #tpu.memory_space<vmem>>) offsets(%dma_start3A_496 : memref<56xi32, #tpu.memory_space<vmem>>) semaphore(%arg17 : memref<!tpu.dma_semaphore, #tpu.memory_space<semaphore_mem>>)
        %dma_start3A_500 = arith.constant 0 : i32
        %dma_start3A_501 = tpu.memref_slice %arg9[%dma_start3A_500] : memref<64xi32, #tpu.memory_space<vmem>> -> memref<56xi32, #tpu.memory_space<vmem>>
        %dma_start3A_502 = arith.constant 0 : i32
        %dma_start3A_503 = arith.constant 0 : i32
        %dma_start3A_504 = tpu.memref_slice %arg2[%dma_start3A_502, %dma_start3A_503] : memref<65536x256xf32, #tpu.memory_space<hbm>> -> memref<65536x256xf32, #tpu.memory_space<hbm>>
        tpu.enqueue_indirect_dma source(%dma_start3A_504 : memref<65536x256xf32, #tpu.memory_space<hbm>>) target(%arg13 : memref<56x256xf32, #tpu.memory_space<vmem>>) offsets(%dma_start3A_501 : memref<56xi32, #tpu.memory_space<vmem>>) semaphore(%arg17 : memref<!tpu.dma_semaphore, #tpu.memory_space<semaphore_mem>>)
        %dma_start3A_505 = arith.constant 0 : i32
        %dma_start3A_506 = tpu.memref_slice %arg10[%dma_start3A_505] : memref<64xi32, #tpu.memory_space<vmem>> -> memref<56xi32, #tpu.memory_space<vmem>>
        %dma_start3A_507 = arith.constant 0 : i32
        %dma_start3A_508 = arith.constant 0 : i32
        %dma_start3A_509 = tpu.memref_slice %arg2[%dma_start3A_507, %dma_start3A_508] : memref<65536x256xf32, #tpu.memory_space<hbm>> -> memref<65536x256xf32, #tpu.memory_space<hbm>>
        tpu.enqueue_indirect_dma source(%dma_start3A_509 : memref<65536x256xf32, #tpu.memory_space<hbm>>) target(%arg14 : memref<56x256xf32, #tpu.memory_space<vmem>>) offsets(%dma_start3A_506 : memref<56xi32, #tpu.memory_space<vmem>>) semaphore(%arg17 : memref<!tpu.dma_semaphore, #tpu.memory_space<semaphore_mem>>)
        %dma_start3A_510 = arith.constant 0 : i32
        %dma_start3A_511 = tpu.memref_slice %arg11[%dma_start3A_510] : memref<64xi32, #tpu.memory_space<vmem>> -> memref<56xi32, #tpu.memory_space<vmem>>
        %dma_start3A_512 = arith.constant 0 : i32
        %dma_start3A_513 = arith.constant 0 : i32
        %dma_start3A_514 = tpu.memref_slice %arg2[%dma_start3A_512, %dma_start3A_513] : memref<65536x256xf32, #tpu.memory_space<hbm>> -> memref<65536x256xf32, #tpu.memory_space<hbm>>
        tpu.enqueue_indirect_dma source(%dma_start3A_514 : memref<65536x256xf32, #tpu.memory_space<hbm>>) target(%arg15 : memref<56x256xf32, #tpu.memory_space<vmem>>) offsets(%dma_start3A_511 : memref<56xi32, #tpu.memory_space<vmem>>) semaphore(%arg17 : memref<!tpu.dma_semaphore, #tpu.memory_space<semaphore_mem>>)
        %dma_wait3A_515 = arith.constant 0 : i32
        %dma_wait3A_516 = tpu.memref_slice %arg8[%dma_wait3A_515] : memref<64xi32, #tpu.memory_space<vmem>> -> memref<56xi32, #tpu.memory_space<vmem>>
        %dma_wait3A_517 = arith.constant 0 : i32
        %dma_wait3A_518 = arith.constant 0 : i32
        %dma_wait3A_519 = tpu.memref_slice %arg2[%dma_wait3A_517, %dma_wait3A_518] : memref<65536x256xf32, #tpu.memory_space<hbm>> -> memref<65536x256xf32, #tpu.memory_space<hbm>>
        tpu.wait_indirect_dma semaphore(%arg17 : memref<!tpu.dma_semaphore, #tpu.memory_space<semaphore_mem>>) src(%dma_wait3A_519 : memref<65536x256xf32, #tpu.memory_space<hbm>>) dst(%arg12 : memref<56x256xf32, #tpu.memory_space<vmem>>)
        %dma_wait3A_520 = arith.constant 0 : i32
        %dma_wait3A_521 = tpu.memref_slice %arg9[%dma_wait3A_520] : memref<64xi32, #tpu.memory_space<vmem>> -> memref<56xi32, #tpu.memory_space<vmem>>
        %dma_wait3A_522 = arith.constant 0 : i32
        %dma_wait3A_523 = arith.constant 0 : i32
        %dma_wait3A_524 = tpu.memref_slice %arg2[%dma_wait3A_522, %dma_wait3A_523] : memref<65536x256xf32, #tpu.memory_space<hbm>> -> memref<65536x256xf32, #tpu.memory_space<hbm>>
        tpu.wait_indirect_dma semaphore(%arg17 : memref<!tpu.dma_semaphore, #tpu.memory_space<semaphore_mem>>) src(%dma_wait3A_524 : memref<65536x256xf32, #tpu.memory_space<hbm>>) dst(%arg13 : memref<56x256xf32, #tpu.memory_space<vmem>>)
        %dma_wait3A_525 = arith.constant 0 : i32
        %dma_wait3A_526 = tpu.memref_slice %arg10[%dma_wait3A_525] : memref<64xi32, #tpu.memory_space<vmem>> -> memref<56xi32, #tpu.memory_space<vmem>>
        %dma_wait3A_527 = arith.constant 0 : i32
        %dma_wait3A_528 = arith.constant 0 : i32
        %dma_wait3A_529 = tpu.memref_slice %arg2[%dma_wait3A_527, %dma_wait3A_528] : memref<65536x256xf32, #tpu.memory_space<hbm>> -> memref<65536x256xf32, #tpu.memory_space<hbm>>
        tpu.wait_indirect_dma semaphore(%arg17 : memref<!tpu.dma_semaphore, #tpu.memory_space<semaphore_mem>>) src(%dma_wait3A_529 : memref<65536x256xf32, #tpu.memory_space<hbm>>) dst(%arg14 : memref<56x256xf32, #tpu.memory_space<vmem>>)
        %dma_wait3A_530 = arith.constant 0 : i32
        %dma_wait3A_531 = tpu.memref_slice %arg11[%dma_wait3A_530] : memref<64xi32, #tpu.memory_space<vmem>> -> memref<56xi32, #tpu.memory_space<vmem>>
        %dma_wait3A_532 = arith.constant 0 : i32
        %dma_wait3A_533 = arith.constant 0 : i32
        %dma_wait3A_534 = tpu.memref_slice %arg2[%dma_wait3A_532, %dma_wait3A_533] : memref<65536x256xf32, #tpu.memory_space<hbm>> -> memref<65536x256xf32, #tpu.memory_space<hbm>>
        tpu.wait_indirect_dma semaphore(%arg17 : memref<!tpu.dma_semaphore, #tpu.memory_space<semaphore_mem>>) src(%dma_wait3A_534 : memref<65536x256xf32, #tpu.memory_space<hbm>>) dst(%arg15 : memref<56x256xf32, #tpu.memory_space<vmem>>)
        %scan3A_535 = arith.constant 0 : i32
        %scan3A_536 = arith.constant 0 : i32
        %scan3A_537 = arith.constant 49 : i32
        %scan3A_538 = arith.addi %scan3A_536, %scan3A_537 : i32
        %scan3A_539 = arith.constant 1 : i32
        scf.for %scan3A_542 = %scan3A_536 to %scan3A_538 step %scan3A_539  : i32 {
          %mul3A_543 = arith.constant 9363 : i32
          %mul3A_544 = arith.muli %scan3A_542, %mul3A_543 : i32
          %shift_right_logical3A_545 = arith.constant 16 : i32
          %shift_right_logical3A_546 = arith.shrui %mul3A_544, %shift_right_logical3A_545 : i32
          %mul3A_547 = arith.constant 7 : i32
          %mul3A_548 = arith.muli %shift_right_logical3A_546, %mul3A_547 : i32
          %sub3A_549 = arith.subi %scan3A_542, %mul3A_548 : i32
          %mul3A_550 = arith.constant 1.270000e+02 : f32
          %mul3A_551 = arith.mulf %squeeze3A, %mul3A_550 : f32
          %convert_element_type3A_552 = arith.sitofp %shift_right_logical3A_546 : i32 to f32
          %sub3A_553 = arith.subf %squeeze3A_22, %squeeze3A : f32
          %mul3A_554 = arith.mulf %convert_element_type3A_552, %sub3A_553 : f32
          %mul3A_555 = arith.constant 21.166666 : f32
          %mul3A_556 = arith.mulf %mul3A_554, %mul3A_555 : f32
          %add3A_557 = arith.addf %mul3A_551, %mul3A_556 : f32
          %mul3A_558 = arith.constant 1.270000e+02 : f32
          %mul3A_559 = arith.mulf %squeeze3A_20, %mul3A_558 : f32
          %convert_element_type3A_560 = arith.sitofp %sub3A_549 : i32 to f32
          %sub3A_561 = arith.subf %squeeze3A_24, %squeeze3A_20 : f32
          %mul3A_562 = arith.mulf %convert_element_type3A_560, %sub3A_561 : f32
          %mul3A_563 = arith.constant 21.166666 : f32
          %mul3A_564 = arith.mulf %mul3A_562, %mul3A_563 : f32
          %add3A_565 = arith.addf %mul3A_559, %mul3A_564 : f32
          %max3A_566 = arith.constant 0.000000e+00 : f32
          %max3A_567 = arith.maximumf %add3A_557, %max3A_566 : f32
          %min3A_568 = arith.constant 1.270000e+02 : f32
          %min3A_569 = arith.minimumf %max3A_567, %min3A_568 : f32
          %max3A_570 = arith.constant 0.000000e+00 : f32
          %max3A_571 = arith.maximumf %add3A_565, %max3A_570 : f32
          %min3A_572 = arith.constant 1.270000e+02 : f32
          %min3A_573 = arith.minimumf %max3A_571, %min3A_572 : f32
          %convert_element_type3A_574 = arith.fptosi %min3A_569 : f32 to i32
          %convert_element_type3A_575 = arith.sitofp %convert_element_type3A_574 : i32 to f32
          %gt3A = arith.cmpf ogt, %convert_element_type3A_575, %min3A_569 : f32
          %jit3A_576 = arith.constant 1.000000e+00 : f32
          %jit3A_577 = arith.constant 0.000000e+00 : f32
          %select_n3A_578 = arith.select %gt3A, %jit3A_576, %jit3A_577 : f32
          %sub3A_579 = arith.subf %convert_element_type3A_575, %select_n3A_578 : f32
          %convert_element_type3A_580 = arith.fptosi %min3A_573 : f32 to i32
          %convert_element_type3A_581 = arith.sitofp %convert_element_type3A_580 : i32 to f32
          %gt3A_582 = arith.cmpf ogt, %convert_element_type3A_581, %min3A_573 : f32
          %jit3A_583 = arith.constant 1.000000e+00 : f32
          %jit3A_584 = arith.constant 0.000000e+00 : f32
          %select_n3A_585 = arith.select %gt3A_582, %jit3A_583, %jit3A_584 : f32
          %sub3A_586 = arith.subf %convert_element_type3A_581, %select_n3A_585 : f32
          %sub3A_587 = arith.subf %min3A_569, %sub3A_579 : f32
          %sub3A_588 = arith.subf %min3A_573, %sub3A_586 : f32
          %broadcast_in_dim3A_589 = vector.broadcast %sub3A_587 : f32 to vector<16xf32>
          %broadcast_in_dim3A_590 = vector.broadcast %sub3A_588 : f32 to vector<16xf32>
          %get3A_591 = arith.index_cast %scan3A_542 : i32 to index
          %get3A_592 = arith.constant 0 : index
          %get3A_593 = tpu.vector_load %arg12[%get3A_591, %get3A_592] {strides = array<i32>} : memref<56x256xf32, #tpu.memory_space<vmem>>, vector<1x16xf32>,
          %get3A_594 = vector.shape_cast %get3A_593 : vector<1x16xf32> to vector<16xf32>
          %get3A_595 = arith.index_cast %scan3A_542 : i32 to index
          %get3A_596 = arith.constant 0 : index
          %get3A_597 = tpu.vector_load %arg13[%get3A_595, %get3A_596] {strides = array<i32>} : memref<56x256xf32, #tpu.memory_space<vmem>>, vector<1x16xf32>,
          %get3A_598 = vector.shape_cast %get3A_597 : vector<1x16xf32> to vector<16xf32>
          %get3A_599 = arith.index_cast %scan3A_542 : i32 to index
          %get3A_600 = arith.constant 0 : index
          %get3A_601 = tpu.vector_load %arg14[%get3A_599, %get3A_600] {strides = array<i32>} : memref<56x256xf32, #tpu.memory_space<vmem>>, vector<1x16xf32>,
          %get3A_602 = vector.shape_cast %get3A_601 : vector<1x16xf32> to vector<16xf32>
          %get3A_603 = arith.index_cast %scan3A_542 : i32 to index
          %get3A_604 = arith.constant 0 : index
          %get3A_605 = tpu.vector_load %arg15[%get3A_603, %get3A_604] {strides = array<i32>} : memref<56x256xf32, #tpu.memory_space<vmem>>, vector<1x16xf32>,
          %get3A_606 = vector.shape_cast %get3A_605 : vector<1x16xf32> to vector<16xf32>
          %sub3A_607 = arith.subf %get3A_598, %get3A_594 : vector<16xf32>
          %mul3A_608 = arith.mulf %sub3A_607, %broadcast_in_dim3A_590 : vector<16xf32>
          %add3A_609 = arith.addf %get3A_594, %mul3A_608 : vector<16xf32>
          %sub3A_610 = arith.subf %get3A_606, %get3A_602 : vector<16xf32>
          %mul3A_611 = arith.mulf %sub3A_610, %broadcast_in_dim3A_590 : vector<16xf32>
          %add3A_612 = arith.addf %get3A_602, %mul3A_611 : vector<16xf32>
          %sub3A_613 = arith.subf %add3A_612, %add3A_609 : vector<16xf32>
          %mul3A_614 = arith.mulf %sub3A_613, %broadcast_in_dim3A_589 : vector<16xf32>
          %add3A_615 = arith.addf %add3A_609, %mul3A_614 : vector<16xf32>
          %swap3A_616 = arith.index_cast %scan3A_542 : i32 to index
          %swap3A_617 = arith.constant 0 : index
          %swap3A_618 = tpu.vector_load %arg16[%swap3A_616, %swap3A_617] {strides = array<i32>} : memref<49x256xf32, #tpu.memory_space<vmem>>, vector<1x16xf32>,
          %swap3A_619 = vector.shape_cast %swap3A_618 : vector<1x16xf32> to vector<16xf32>
          %swap3A_620 = vector.shape_cast %add3A_615 : vector<16xf32> to vector<1x16xf32>
          tpu.vector_store %arg16[%swap3A_616, %swap3A_617], %swap3A_620 {strides = array<i32>} : memref<49x256xf32, #tpu.memory_space<vmem>>, vector<1x16xf32>,
          %get3A_621 = arith.index_cast %scan3A_542 : i32 to index
          %get3A_622 = arith.constant 16 : index
          %get3A_623 = tpu.vector_load %arg12[%get3A_621, %get3A_622] {strides = array<i32>} : memref<56x256xf32, #tpu.memory_space<vmem>>, vector<1x16xf32>,
          %get3A_624 = vector.shape_cast %get3A_623 : vector<1x16xf32> to vector<16xf32>
          %get3A_625 = arith.index_cast %scan3A_542 : i32 to index
          %get3A_626 = arith.constant 16 : index
          %get3A_627 = tpu.vector_load %arg13[%get3A_625, %get3A_626] {strides = array<i32>} : memref<56x256xf32, #tpu.memory_space<vmem>>, vector<1x16xf32>,
          %get3A_628 = vector.shape_cast %get3A_627 : vector<1x16xf32> to vector<16xf32>
          %get3A_629 = arith.index_cast %scan3A_542 : i32 to index
          %get3A_630 = arith.constant 16 : index
          %get3A_631 = tpu.vector_load %arg14[%get3A_629, %get3A_630] {strides = array<i32>} : memref<56x256xf32, #tpu.memory_space<vmem>>, vector<1x16xf32>,
          %get3A_632 = vector.shape_cast %get3A_631 : vector<1x16xf32> to vector<16xf32>
          %get3A_633 = arith.index_cast %scan3A_542 : i32 to index
          %get3A_634 = arith.constant 16 : index
          %get3A_635 = tpu.vector_load %arg15[%get3A_633, %get3A_634] {strides = array<i32>} : memref<56x256xf32, #tpu.memory_space<vmem>>, vector<1x16xf32>,
          %get3A_636 = vector.shape_cast %get3A_635 : vector<1x16xf32> to vector<16xf32>
          %sub3A_637 = arith.subf %get3A_628, %get3A_624 : vector<16xf32>
          %mul3A_638 = arith.mulf %sub3A_637, %broadcast_in_dim3A_590 : vector<16xf32>
          %add3A_639 = arith.addf %get3A_624, %mul3A_638 : vector<16xf32>
          %sub3A_640 = arith.subf %get3A_636, %get3A_632 : vector<16xf32>
          %mul3A_641 = arith.mulf %sub3A_640, %broadcast_in_dim3A_590 : vector<16xf32>
          %add3A_642 = arith.addf %get3A_632, %mul3A_641 : vector<16xf32>
          %sub3A_643 = arith.subf %add3A_642, %add3A_639 : vector<16xf32>
          %mul3A_644 = arith.mulf %sub3A_643, %broadcast_in_dim3A_589 : vector<16xf32>
          %add3A_645 = arith.addf %add3A_639, %mul3A_644 : vector<16xf32>
          %swap3A_646 = arith.index_cast %scan3A_542 : i32 to index
          %swap3A_647 = arith.constant 16 : index
          %swap3A_648 = tpu.vector_load %arg16[%swap3A_646, %swap3A_647] {strides = array<i32>} : memref<49x256xf32, #tpu.memory_space<vmem>>, vector<1x16xf32>,
          %swap3A_649 = vector.shape_cast %swap3A_648 : vector<1x16xf32> to vector<16xf32>
          %swap3A_650 = vector.shape_cast %add3A_645 : vector<16xf32> to vector<1x16xf32>
          tpu.vector_store %arg16[%swap3A_646, %swap3A_647], %swap3A_650 {strides = array<i32>} : memref<49x256xf32, #tpu.memory_space<vmem>>, vector<1x16xf32>,
          %get3A_651 = arith.index_cast %scan3A_542 : i32 to index
          %get3A_652 = arith.constant 32 : index
          %get3A_653 = tpu.vector_load %arg12[%get3A_651, %get3A_652] {strides = array<i32>} : memref<56x256xf32, #tpu.memory_space<vmem>>, vector<1x16xf32>,
          %get3A_654 = vector.shape_cast %get3A_653 : vector<1x16xf32> to vector<16xf32>
          %get3A_655 = arith.index_cast %scan3A_542 : i32 to index
          %get3A_656 = arith.constant 32 : index
          %get3A_657 = tpu.vector_load %arg13[%get3A_655, %get3A_656] {strides = array<i32>} : memref<56x256xf32, #tpu.memory_space<vmem>>, vector<1x16xf32>,
          %get3A_658 = vector.shape_cast %get3A_657 : vector<1x16xf32> to vector<16xf32>
          %get3A_659 = arith.index_cast %scan3A_542 : i32 to index
          %get3A_660 = arith.constant 32 : index
          %get3A_661 = tpu.vector_load %arg14[%get3A_659, %get3A_660] {strides = array<i32>} : memref<56x256xf32, #tpu.memory_space<vmem>>, vector<1x16xf32>,
          %get3A_662 = vector.shape_cast %get3A_661 : vector<1x16xf32> to vector<16xf32>
          %get3A_663 = arith.index_cast %scan3A_542 : i32 to index
          %get3A_664 = arith.constant 32 : index
          %get3A_665 = tpu.vector_load %arg15[%get3A_663, %get3A_664] {strides = array<i32>} : memref<56x256xf32, #tpu.memory_space<vmem>>, vector<1x16xf32>,
          %get3A_666 = vector.shape_cast %get3A_665 : vector<1x16xf32> to vector<16xf32>
          %sub3A_667 = arith.subf %get3A_658, %get3A_654 : vector<16xf32>
          %mul3A_668 = arith.mulf %sub3A_667, %broadcast_in_dim3A_590 : vector<16xf32>
          %add3A_669 = arith.addf %get3A_654, %mul3A_668 : vector<16xf32>
          %sub3A_670 = arith.subf %get3A_666, %get3A_662 : vector<16xf32>
          %mul3A_671 = arith.mulf %sub3A_670, %broadcast_in_dim3A_590 : vector<16xf32>
          %add3A_672 = arith.addf %get3A_662, %mul3A_671 : vector<16xf32>
          %sub3A_673 = arith.subf %add3A_672, %add3A_669 : vector<16xf32>
          %mul3A_674 = arith.mulf %sub3A_673, %broadcast_in_dim3A_589 : vector<16xf32>
          %add3A_675 = arith.addf %add3A_669, %mul3A_674 : vector<16xf32>
          %swap3A_676 = arith.index_cast %scan3A_542 : i32 to index
          %swap3A_677 = arith.constant 32 : index
          %swap3A_678 = tpu.vector_load %arg16[%swap3A_676, %swap3A_677] {strides = array<i32>} : memref<49x256xf32, #tpu.memory_space<vmem>>, vector<1x16xf32>,
          %swap3A_679 = vector.shape_cast %swap3A_678 : vector<1x16xf32> to vector<16xf32>
          %swap3A_680 = vector.shape_cast %add3A_675 : vector<16xf32> to vector<1x16xf32>
          tpu.vector_store %arg16[%swap3A_676, %swap3A_677], %swap3A_680 {strides = array<i32>} : memref<49x256xf32, #tpu.memory_space<vmem>>, vector<1x16xf32>,
          %get3A_681 = arith.index_cast %scan3A_542 : i32 to index
          %get3A_682 = arith.constant 48 : index
          %get3A_683 = tpu.vector_load %arg12[%get3A_681, %get3A_682] {strides = array<i32>} : memref<56x256xf32, #tpu.memory_space<vmem>>, vector<1x16xf32>,
          %get3A_684 = vector.shape_cast %get3A_683 : vector<1x16xf32> to vector<16xf32>
          %get3A_685 = arith.index_cast %scan3A_542 : i32 to index
          %get3A_686 = arith.constant 48 : index
          %get3A_687 = tpu.vector_load %arg13[%get3A_685, %get3A_686] {strides = array<i32>} : memref<56x256xf32, #tpu.memory_space<vmem>>, vector<1x16xf32>,
          %get3A_688 = vector.shape_cast %get3A_687 : vector<1x16xf32> to vector<16xf32>
          %get3A_689 = arith.index_cast %scan3A_542 : i32 to index
          %get3A_690 = arith.constant 48 : index
          %get3A_691 = tpu.vector_load %arg14[%get3A_689, %get3A_690] {strides = array<i32>} : memref<56x256xf32, #tpu.memory_space<vmem>>, vector<1x16xf32>,
          %get3A_692 = vector.shape_cast %get3A_691 : vector<1x16xf32> to vector<16xf32>
          %get3A_693 = arith.index_cast %scan3A_542 : i32 to index
          %get3A_694 = arith.constant 48 : index
          %get3A_695 = tpu.vector_load %arg15[%get3A_693, %get3A_694] {strides = array<i32>} : memref<56x256xf32, #tpu.memory_space<vmem>>, vector<1x16xf32>,
          %get3A_696 = vector.shape_cast %get3A_695 : vector<1x16xf32> to vector<16xf32>
          %sub3A_697 = arith.subf %get3A_688, %get3A_684 : vector<16xf32>
          %mul3A_698 = arith.mulf %sub3A_697, %broadcast_in_dim3A_590 : vector<16xf32>
          %add3A_699 = arith.addf %get3A_684, %mul3A_698 : vector<16xf32>
          %sub3A_700 = arith.subf %get3A_696, %get3A_692 : vector<16xf32>
          %mul3A_701 = arith.mulf %sub3A_700, %broadcast_in_dim3A_590 : vector<16xf32>
          %add3A_702 = arith.addf %get3A_692, %mul3A_701 : vector<16xf32>
          %sub3A_703 = arith.subf %add3A_702, %add3A_699 : vector<16xf32>
          %mul3A_704 = arith.mulf %sub3A_703, %broadcast_in_dim3A_589 : vector<16xf32>
          %add3A_705 = arith.addf %add3A_699, %mul3A_704 : vector<16xf32>
          %swap3A_706 = arith.index_cast %scan3A_542 : i32 to index
          %swap3A_707 = arith.constant 48 : index
          %swap3A_708 = tpu.vector_load %arg16[%swap3A_706, %swap3A_707] {strides = array<i32>} : memref<49x256xf32, #tpu.memory_space<vmem>>, vector<1x16xf32>,
          %swap3A_709 = vector.shape_cast %swap3A_708 : vector<1x16xf32> to vector<16xf32>
          %swap3A_710 = vector.shape_cast %add3A_705 : vector<16xf32> to vector<1x16xf32>
          tpu.vector_store %arg16[%swap3A_706, %swap3A_707], %swap3A_710 {strides = array<i32>} : memref<49x256xf32, #tpu.memory_space<vmem>>, vector<1x16xf32>,
          %get3A_711 = arith.index_cast %scan3A_542 : i32 to index
          %get3A_712 = arith.constant 64 : index
          %get3A_713 = tpu.vector_load %arg12[%get3A_711, %get3A_712] {strides = array<i32>} : memref<56x256xf32, #tpu.memory_space<vmem>>, vector<1x16xf32>,
          %get3A_714 = vector.shape_cast %get3A_713 : vector<1x16xf32> to vector<16xf32>
          %get3A_715 = arith.index_cast %scan3A_542 : i32 to index
          %get3A_716 = arith.constant 64 : index
          %get3A_717 = tpu.vector_load %arg13[%get3A_715, %get3A_716] {strides = array<i32>} : memref<56x256xf32, #tpu.memory_space<vmem>>, vector<1x16xf32>,
          %get3A_718 = vector.shape_cast %get3A_717 : vector<1x16xf32> to vector<16xf32>
          %get3A_719 = arith.index_cast %scan3A_542 : i32 to index
          %get3A_720 = arith.constant 64 : index
          %get3A_721 = tpu.vector_load %arg14[%get3A_719, %get3A_720] {strides = array<i32>} : memref<56x256xf32, #tpu.memory_space<vmem>>, vector<1x16xf32>,
          %get3A_722 = vector.shape_cast %get3A_721 : vector<1x16xf32> to vector<16xf32>
          %get3A_723 = arith.index_cast %scan3A_542 : i32 to index
          %get3A_724 = arith.constant 64 : index
          %get3A_725 = tpu.vector_load %arg15[%get3A_723, %get3A_724] {strides = array<i32>} : memref<56x256xf32, #tpu.memory_space<vmem>>, vector<1x16xf32>,
          %get3A_726 = vector.shape_cast %get3A_725 : vector<1x16xf32> to vector<16xf32>
          %sub3A_727 = arith.subf %get3A_718, %get3A_714 : vector<16xf32>
          %mul3A_728 = arith.mulf %sub3A_727, %broadcast_in_dim3A_590 : vector<16xf32>
          %add3A_729 = arith.addf %get3A_714, %mul3A_728 : vector<16xf32>
          %sub3A_730 = arith.subf %get3A_726, %get3A_722 : vector<16xf32>
          %mul3A_731 = arith.mulf %sub3A_730, %broadcast_in_dim3A_590 : vector<16xf32>
          %add3A_732 = arith.addf %get3A_722, %mul3A_731 : vector<16xf32>
          %sub3A_733 = arith.subf %add3A_732, %add3A_729 : vector<16xf32>
          %mul3A_734 = arith.mulf %sub3A_733, %broadcast_in_dim3A_589 : vector<16xf32>
          %add3A_735 = arith.addf %add3A_729, %mul3A_734 : vector<16xf32>
          %swap3A_736 = arith.index_cast %scan3A_542 : i32 to index
          %swap3A_737 = arith.constant 64 : index
          %swap3A_738 = tpu.vector_load %arg16[%swap3A_736, %swap3A_737] {strides = array<i32>} : memref<49x256xf32, #tpu.memory_space<vmem>>, vector<1x16xf32>,
          %swap3A_739 = vector.shape_cast %swap3A_738 : vector<1x16xf32> to vector<16xf32>
          %swap3A_740 = vector.shape_cast %add3A_735 : vector<16xf32> to vector<1x16xf32>
          tpu.vector_store %arg16[%swap3A_736, %swap3A_737], %swap3A_740 {strides = array<i32>} : memref<49x256xf32, #tpu.memory_space<vmem>>, vector<1x16xf32>,
          %get3A_741 = arith.index_cast %scan3A_542 : i32 to index
          %get3A_742 = arith.constant 80 : index
          %get3A_743 = tpu.vector_load %arg12[%get3A_741, %get3A_742] {strides = array<i32>} : memref<56x256xf32, #tpu.memory_space<vmem>>, vector<1x16xf32>,
          %get3A_744 = vector.shape_cast %get3A_743 : vector<1x16xf32> to vector<16xf32>
          %get3A_745 = arith.index_cast %scan3A_542 : i32 to index
          %get3A_746 = arith.constant 80 : index
          %get3A_747 = tpu.vector_load %arg13[%get3A_745, %get3A_746] {strides = array<i32>} : memref<56x256xf32, #tpu.memory_space<vmem>>, vector<1x16xf32>,
          %get3A_748 = vector.shape_cast %get3A_747 : vector<1x16xf32> to vector<16xf32>
          %get3A_749 = arith.index_cast %scan3A_542 : i32 to index
          %get3A_750 = arith.constant 80 : index
          %get3A_751 = tpu.vector_load %arg14[%get3A_749, %get3A_750] {strides = array<i32>} : memref<56x256xf32, #tpu.memory_space<vmem>>, vector<1x16xf32>,
          %get3A_752 = vector.shape_cast %get3A_751 : vector<1x16xf32> to vector<16xf32>
          %get3A_753 = arith.index_cast %scan3A_542 : i32 to index
          %get3A_754 = arith.constant 80 : index
          %get3A_755 = tpu.vector_load %arg15[%get3A_753, %get3A_754] {strides = array<i32>} : memref<56x256xf32, #tpu.memory_space<vmem>>, vector<1x16xf32>,
          %get3A_756 = vector.shape_cast %get3A_755 : vector<1x16xf32> to vector<16xf32>
          %sub3A_757 = arith.subf %get3A_748, %get3A_744 : vector<16xf32>
          %mul3A_758 = arith.mulf %sub3A_757, %broadcast_in_dim3A_590 : vector<16xf32>
          %add3A_759 = arith.addf %get3A_744, %mul3A_758 : vector<16xf32>
          %sub3A_760 = arith.subf %get3A_756, %get3A_752 : vector<16xf32>
          %mul3A_761 = arith.mulf %sub3A_760, %broadcast_in_dim3A_590 : vector<16xf32>
          %add3A_762 = arith.addf %get3A_752, %mul3A_761 : vector<16xf32>
          %sub3A_763 = arith.subf %add3A_762, %add3A_759 : vector<16xf32>
          %mul3A_764 = arith.mulf %sub3A_763, %broadcast_in_dim3A_589 : vector<16xf32>
          %add3A_765 = arith.addf %add3A_759, %mul3A_764 : vector<16xf32>
          %swap3A_766 = arith.index_cast %scan3A_542 : i32 to index
          %swap3A_767 = arith.constant 80 : index
          %swap3A_768 = tpu.vector_load %arg16[%swap3A_766, %swap3A_767] {strides = array<i32>} : memref<49x256xf32, #tpu.memory_space<vmem>>, vector<1x16xf32>,
          %swap3A_769 = vector.shape_cast %swap3A_768 : vector<1x16xf32> to vector<16xf32>
          %swap3A_770 = vector.shape_cast %add3A_765 : vector<16xf32> to vector<1x16xf32>
          tpu.vector_store %arg16[%swap3A_766, %swap3A_767], %swap3A_770 {strides = array<i32>} : memref<49x256xf32, #tpu.memory_space<vmem>>, vector<1x16xf32>,
          %get3A_771 = arith.index_cast %scan3A_542 : i32 to index
          %get3A_772 = arith.constant 96 : index
          %get3A_773 = tpu.vector_load %arg12[%get3A_771, %get3A_772] {strides = array<i32>} : memref<56x256xf32, #tpu.memory_space<vmem>>, vector<1x16xf32>,
          %get3A_774 = vector.shape_cast %get3A_773 : vector<1x16xf32> to vector<16xf32>
          %get3A_775 = arith.index_cast %scan3A_542 : i32 to index
          %get3A_776 = arith.constant 96 : index
          %get3A_777 = tpu.vector_load %arg13[%get3A_775, %get3A_776] {strides = array<i32>} : memref<56x256xf32, #tpu.memory_space<vmem>>, vector<1x16xf32>,
          %get3A_778 = vector.shape_cast %get3A_777 : vector<1x16xf32> to vector<16xf32>
          %get3A_779 = arith.index_cast %scan3A_542 : i32 to index
          %get3A_780 = arith.constant 96 : index
          %get3A_781 = tpu.vector_load %arg14[%get3A_779, %get3A_780] {strides = array<i32>} : memref<56x256xf32, #tpu.memory_space<vmem>>, vector<1x16xf32>,
          %get3A_782 = vector.shape_cast %get3A_781 : vector<1x16xf32> to vector<16xf32>
          %get3A_783 = arith.index_cast %scan3A_542 : i32 to index
          %get3A_784 = arith.constant 96 : index
          %get3A_785 = tpu.vector_load %arg15[%get3A_783, %get3A_784] {strides = array<i32>} : memref<56x256xf32, #tpu.memory_space<vmem>>, vector<1x16xf32>,
          %get3A_786 = vector.shape_cast %get3A_785 : vector<1x16xf32> to vector<16xf32>
          %sub3A_787 = arith.subf %get3A_778, %get3A_774 : vector<16xf32>
          %mul3A_788 = arith.mulf %sub3A_787, %broadcast_in_dim3A_590 : vector<16xf32>
          %add3A_789 = arith.addf %get3A_774, %mul3A_788 : vector<16xf32>
          %sub3A_790 = arith.subf %get3A_786, %get3A_782 : vector<16xf32>
          %mul3A_791 = arith.mulf %sub3A_790, %broadcast_in_dim3A_590 : vector<16xf32>
          %add3A_792 = arith.addf %get3A_782, %mul3A_791 : vector<16xf32>
          %sub3A_793 = arith.subf %add3A_792, %add3A_789 : vector<16xf32>
          %mul3A_794 = arith.mulf %sub3A_793, %broadcast_in_dim3A_589 : vector<16xf32>
          %add3A_795 = arith.addf %add3A_789, %mul3A_794 : vector<16xf32>
          %swap3A_796 = arith.index_cast %scan3A_542 : i32 to index
          %swap3A_797 = arith.constant 96 : index
          %swap3A_798 = tpu.vector_load %arg16[%swap3A_796, %swap3A_797] {strides = array<i32>} : memref<49x256xf32, #tpu.memory_space<vmem>>, vector<1x16xf32>,
          %swap3A_799 = vector.shape_cast %swap3A_798 : vector<1x16xf32> to vector<16xf32>
          %swap3A_800 = vector.shape_cast %add3A_795 : vector<16xf32> to vector<1x16xf32>
          tpu.vector_store %arg16[%swap3A_796, %swap3A_797], %swap3A_800 {strides = array<i32>} : memref<49x256xf32, #tpu.memory_space<vmem>>, vector<1x16xf32>,
          %get3A_801 = arith.index_cast %scan3A_542 : i32 to index
          %get3A_802 = arith.constant 112 : index
          %get3A_803 = tpu.vector_load %arg12[%get3A_801, %get3A_802] {strides = array<i32>} : memref<56x256xf32, #tpu.memory_space<vmem>>, vector<1x16xf32>,
          %get3A_804 = vector.shape_cast %get3A_803 : vector<1x16xf32> to vector<16xf32>
          %get3A_805 = arith.index_cast %scan3A_542 : i32 to index
          %get3A_806 = arith.constant 112 : index
          %get3A_807 = tpu.vector_load %arg13[%get3A_805, %get3A_806] {strides = array<i32>} : memref<56x256xf32, #tpu.memory_space<vmem>>, vector<1x16xf32>,
          %get3A_808 = vector.shape_cast %get3A_807 : vector<1x16xf32> to vector<16xf32>
          %get3A_809 = arith.index_cast %scan3A_542 : i32 to index
          %get3A_810 = arith.constant 112 : index
          %get3A_811 = tpu.vector_load %arg14[%get3A_809, %get3A_810] {strides = array<i32>} : memref<56x256xf32, #tpu.memory_space<vmem>>, vector<1x16xf32>,
          %get3A_812 = vector.shape_cast %get3A_811 : vector<1x16xf32> to vector<16xf32>
          %get3A_813 = arith.index_cast %scan3A_542 : i32 to index
          %get3A_814 = arith.constant 112 : index
          %get3A_815 = tpu.vector_load %arg15[%get3A_813, %get3A_814] {strides = array<i32>} : memref<56x256xf32, #tpu.memory_space<vmem>>, vector<1x16xf32>,
          %get3A_816 = vector.shape_cast %get3A_815 : vector<1x16xf32> to vector<16xf32>
          %sub3A_817 = arith.subf %get3A_808, %get3A_804 : vector<16xf32>
          %mul3A_818 = arith.mulf %sub3A_817, %broadcast_in_dim3A_590 : vector<16xf32>
          %add3A_819 = arith.addf %get3A_804, %mul3A_818 : vector<16xf32>
          %sub3A_820 = arith.subf %get3A_816, %get3A_812 : vector<16xf32>
          %mul3A_821 = arith.mulf %sub3A_820, %broadcast_in_dim3A_590 : vector<16xf32>
          %add3A_822 = arith.addf %get3A_812, %mul3A_821 : vector<16xf32>
          %sub3A_823 = arith.subf %add3A_822, %add3A_819 : vector<16xf32>
          %mul3A_824 = arith.mulf %sub3A_823, %broadcast_in_dim3A_589 : vector<16xf32>
          %add3A_825 = arith.addf %add3A_819, %mul3A_824 : vector<16xf32>
          %swap3A_826 = arith.index_cast %scan3A_542 : i32 to index
          %swap3A_827 = arith.constant 112 : index
          %swap3A_828 = tpu.vector_load %arg16[%swap3A_826, %swap3A_827] {strides = array<i32>} : memref<49x256xf32, #tpu.memory_space<vmem>>, vector<1x16xf32>,
          %swap3A_829 = vector.shape_cast %swap3A_828 : vector<1x16xf32> to vector<16xf32>
          %swap3A_830 = vector.shape_cast %add3A_825 : vector<16xf32> to vector<1x16xf32>
          tpu.vector_store %arg16[%swap3A_826, %swap3A_827], %swap3A_830 {strides = array<i32>} : memref<49x256xf32, #tpu.memory_space<vmem>>, vector<1x16xf32>,
          %get3A_831 = arith.index_cast %scan3A_542 : i32 to index
          %get3A_832 = arith.constant 128 : index
          %get3A_833 = tpu.vector_load %arg12[%get3A_831, %get3A_832] {strides = array<i32>} : memref<56x256xf32, #tpu.memory_space<vmem>>, vector<1x16xf32>,
          %get3A_834 = vector.shape_cast %get3A_833 : vector<1x16xf32> to vector<16xf32>
          %get3A_835 = arith.index_cast %scan3A_542 : i32 to index
          %get3A_836 = arith.constant 128 : index
          %get3A_837 = tpu.vector_load %arg13[%get3A_835, %get3A_836] {strides = array<i32>} : memref<56x256xf32, #tpu.memory_space<vmem>>, vector<1x16xf32>,
          %get3A_838 = vector.shape_cast %get3A_837 : vector<1x16xf32> to vector<16xf32>
          %get3A_839 = arith.index_cast %scan3A_542 : i32 to index
          %get3A_840 = arith.constant 128 : index
          %get3A_841 = tpu.vector_load %arg14[%get3A_839, %get3A_840] {strides = array<i32>} : memref<56x256xf32, #tpu.memory_space<vmem>>, vector<1x16xf32>,
          %get3A_842 = vector.shape_cast %get3A_841 : vector<1x16xf32> to vector<16xf32>
          %get3A_843 = arith.index_cast %scan3A_542 : i32 to index
          %get3A_844 = arith.constant 128 : index
          %get3A_845 = tpu.vector_load %arg15[%get3A_843, %get3A_844] {strides = array<i32>} : memref<56x256xf32, #tpu.memory_space<vmem>>, vector<1x16xf32>,
          %get3A_846 = vector.shape_cast %get3A_845 : vector<1x16xf32> to vector<16xf32>
          %sub3A_847 = arith.subf %get3A_838, %get3A_834 : vector<16xf32>
          %mul3A_848 = arith.mulf %sub3A_847, %broadcast_in_dim3A_590 : vector<16xf32>
          %add3A_849 = arith.addf %get3A_834, %mul3A_848 : vector<16xf32>
          %sub3A_850 = arith.subf %get3A_846, %get3A_842 : vector<16xf32>
          %mul3A_851 = arith.mulf %sub3A_850, %broadcast_in_dim3A_590 : vector<16xf32>
          %add3A_852 = arith.addf %get3A_842, %mul3A_851 : vector<16xf32>
          %sub3A_853 = arith.subf %add3A_852, %add3A_849 : vector<16xf32>
          %mul3A_854 = arith.mulf %sub3A_853, %broadcast_in_dim3A_589 : vector<16xf32>
          %add3A_855 = arith.addf %add3A_849, %mul3A_854 : vector<16xf32>
          %swap3A_856 = arith.index_cast %scan3A_542 : i32 to index
          %swap3A_857 = arith.constant 128 : index
          %swap3A_858 = tpu.vector_load %arg16[%swap3A_856, %swap3A_857] {strides = array<i32>} : memref<49x256xf32, #tpu.memory_space<vmem>>, vector<1x16xf32>,
          %swap3A_859 = vector.shape_cast %swap3A_858 : vector<1x16xf32> to vector<16xf32>
          %swap3A_860 = vector.shape_cast %add3A_855 : vector<16xf32> to vector<1x16xf32>
          tpu.vector_store %arg16[%swap3A_856, %swap3A_857], %swap3A_860 {strides = array<i32>} : memref<49x256xf32, #tpu.memory_space<vmem>>, vector<1x16xf32>,
          %get3A_861 = arith.index_cast %scan3A_542 : i32 to index
          %get3A_862 = arith.constant 144 : index
          %get3A_863 = tpu.vector_load %arg12[%get3A_861, %get3A_862] {strides = array<i32>} : memref<56x256xf32, #tpu.memory_space<vmem>>, vector<1x16xf32>,
          %get3A_864 = vector.shape_cast %get3A_863 : vector<1x16xf32> to vector<16xf32>
          %get3A_865 = arith.index_cast %scan3A_542 : i32 to index
          %get3A_866 = arith.constant 144 : index
          %get3A_867 = tpu.vector_load %arg13[%get3A_865, %get3A_866] {strides = array<i32>} : memref<56x256xf32, #tpu.memory_space<vmem>>, vector<1x16xf32>,
          %get3A_868 = vector.shape_cast %get3A_867 : vector<1x16xf32> to vector<16xf32>
          %get3A_869 = arith.index_cast %scan3A_542 : i32 to index
          %get3A_870 = arith.constant 144 : index
          %get3A_871 = tpu.vector_load %arg14[%get3A_869, %get3A_870] {strides = array<i32>} : memref<56x256xf32, #tpu.memory_space<vmem>>, vector<1x16xf32>,
          %get3A_872 = vector.shape_cast %get3A_871 : vector<1x16xf32> to vector<16xf32>
          %get3A_873 = arith.index_cast %scan3A_542 : i32 to index
          %get3A_874 = arith.constant 144 : index
          %get3A_875 = tpu.vector_load %arg15[%get3A_873, %get3A_874] {strides = array<i32>} : memref<56x256xf32, #tpu.memory_space<vmem>>, vector<1x16xf32>,
          %get3A_876 = vector.shape_cast %get3A_875 : vector<1x16xf32> to vector<16xf32>
          %sub3A_877 = arith.subf %get3A_868, %get3A_864 : vector<16xf32>
          %mul3A_878 = arith.mulf %sub3A_877, %broadcast_in_dim3A_590 : vector<16xf32>
          %add3A_879 = arith.addf %get3A_864, %mul3A_878 : vector<16xf32>
          %sub3A_880 = arith.subf %get3A_876, %get3A_872 : vector<16xf32>
          %mul3A_881 = arith.mulf %sub3A_880, %broadcast_in_dim3A_590 : vector<16xf32>
          %add3A_882 = arith.addf %get3A_872, %mul3A_881 : vector<16xf32>
          %sub3A_883 = arith.subf %add3A_882, %add3A_879 : vector<16xf32>
          %mul3A_884 = arith.mulf %sub3A_883, %broadcast_in_dim3A_589 : vector<16xf32>
          %add3A_885 = arith.addf %add3A_879, %mul3A_884 : vector<16xf32>
          %swap3A_886 = arith.index_cast %scan3A_542 : i32 to index
          %swap3A_887 = arith.constant 144 : index
          %swap3A_888 = tpu.vector_load %arg16[%swap3A_886, %swap3A_887] {strides = array<i32>} : memref<49x256xf32, #tpu.memory_space<vmem>>, vector<1x16xf32>,
          %swap3A_889 = vector.shape_cast %swap3A_888 : vector<1x16xf32> to vector<16xf32>
          %swap3A_890 = vector.shape_cast %add3A_885 : vector<16xf32> to vector<1x16xf32>
          tpu.vector_store %arg16[%swap3A_886, %swap3A_887], %swap3A_890 {strides = array<i32>} : memref<49x256xf32, #tpu.memory_space<vmem>>, vector<1x16xf32>,
          %get3A_891 = arith.index_cast %scan3A_542 : i32 to index
          %get3A_892 = arith.constant 160 : index
          %get3A_893 = tpu.vector_load %arg12[%get3A_891, %get3A_892] {strides = array<i32>} : memref<56x256xf32, #tpu.memory_space<vmem>>, vector<1x16xf32>,
          %get3A_894 = vector.shape_cast %get3A_893 : vector<1x16xf32> to vector<16xf32>
          %get3A_895 = arith.index_cast %scan3A_542 : i32 to index
          %get3A_896 = arith.constant 160 : index
          %get3A_897 = tpu.vector_load %arg13[%get3A_895, %get3A_896] {strides = array<i32>} : memref<56x256xf32, #tpu.memory_space<vmem>>, vector<1x16xf32>,
          %get3A_898 = vector.shape_cast %get3A_897 : vector<1x16xf32> to vector<16xf32>
          %get3A_899 = arith.index_cast %scan3A_542 : i32 to index
          %get3A_900 = arith.constant 160 : index
          %get3A_901 = tpu.vector_load %arg14[%get3A_899, %get3A_900] {strides = array<i32>} : memref<56x256xf32, #tpu.memory_space<vmem>>, vector<1x16xf32>,
          %get3A_902 = vector.shape_cast %get3A_901 : vector<1x16xf32> to vector<16xf32>
          %get3A_903 = arith.index_cast %scan3A_542 : i32 to index
          %get3A_904 = arith.constant 160 : index
          %get3A_905 = tpu.vector_load %arg15[%get3A_903, %get3A_904] {strides = array<i32>} : memref<56x256xf32, #tpu.memory_space<vmem>>, vector<1x16xf32>,
          %get3A_906 = vector.shape_cast %get3A_905 : vector<1x16xf32> to vector<16xf32>
          %sub3A_907 = arith.subf %get3A_898, %get3A_894 : vector<16xf32>
          %mul3A_908 = arith.mulf %sub3A_907, %broadcast_in_dim3A_590 : vector<16xf32>
          %add3A_909 = arith.addf %get3A_894, %mul3A_908 : vector<16xf32>
          %sub3A_910 = arith.subf %get3A_906, %get3A_902 : vector<16xf32>
          %mul3A_911 = arith.mulf %sub3A_910, %broadcast_in_dim3A_590 : vector<16xf32>
          %add3A_912 = arith.addf %get3A_902, %mul3A_911 : vector<16xf32>
          %sub3A_913 = arith.subf %add3A_912, %add3A_909 : vector<16xf32>
          %mul3A_914 = arith.mulf %sub3A_913, %broadcast_in_dim3A_589 : vector<16xf32>
          %add3A_915 = arith.addf %add3A_909, %mul3A_914 : vector<16xf32>
          %swap3A_916 = arith.index_cast %scan3A_542 : i32 to index
          %swap3A_917 = arith.constant 160 : index
          %swap3A_918 = tpu.vector_load %arg16[%swap3A_916, %swap3A_917] {strides = array<i32>} : memref<49x256xf32, #tpu.memory_space<vmem>>, vector<1x16xf32>,
          %swap3A_919 = vector.shape_cast %swap3A_918 : vector<1x16xf32> to vector<16xf32>
          %swap3A_920 = vector.shape_cast %add3A_915 : vector<16xf32> to vector<1x16xf32>
          tpu.vector_store %arg16[%swap3A_916, %swap3A_917], %swap3A_920 {strides = array<i32>} : memref<49x256xf32, #tpu.memory_space<vmem>>, vector<1x16xf32>,
          %get3A_921 = arith.index_cast %scan3A_542 : i32 to index
          %get3A_922 = arith.constant 176 : index
          %get3A_923 = tpu.vector_load %arg12[%get3A_921, %get3A_922] {strides = array<i32>} : memref<56x256xf32, #tpu.memory_space<vmem>>, vector<1x16xf32>,
          %get3A_924 = vector.shape_cast %get3A_923 : vector<1x16xf32> to vector<16xf32>
          %get3A_925 = arith.index_cast %scan3A_542 : i32 to index
          %get3A_926 = arith.constant 176 : index
          %get3A_927 = tpu.vector_load %arg13[%get3A_925, %get3A_926] {strides = array<i32>} : memref<56x256xf32, #tpu.memory_space<vmem>>, vector<1x16xf32>,
          %get3A_928 = vector.shape_cast %get3A_927 : vector<1x16xf32> to vector<16xf32>
          %get3A_929 = arith.index_cast %scan3A_542 : i32 to index
          %get3A_930 = arith.constant 176 : index
          %get3A_931 = tpu.vector_load %arg14[%get3A_929, %get3A_930] {strides = array<i32>} : memref<56x256xf32, #tpu.memory_space<vmem>>, vector<1x16xf32>,
          %get3A_932 = vector.shape_cast %get3A_931 : vector<1x16xf32> to vector<16xf32>
          %get3A_933 = arith.index_cast %scan3A_542 : i32 to index
          %get3A_934 = arith.constant 176 : index
          %get3A_935 = tpu.vector_load %arg15[%get3A_933, %get3A_934] {strides = array<i32>} : memref<56x256xf32, #tpu.memory_space<vmem>>, vector<1x16xf32>,
          %get3A_936 = vector.shape_cast %get3A_935 : vector<1x16xf32> to vector<16xf32>
          %sub3A_937 = arith.subf %get3A_928, %get3A_924 : vector<16xf32>
          %mul3A_938 = arith.mulf %sub3A_937, %broadcast_in_dim3A_590 : vector<16xf32>
          %add3A_939 = arith.addf %get3A_924, %mul3A_938 : vector<16xf32>
          %sub3A_940 = arith.subf %get3A_936, %get3A_932 : vector<16xf32>
          %mul3A_941 = arith.mulf %sub3A_940, %broadcast_in_dim3A_590 : vector<16xf32>
          %add3A_942 = arith.addf %get3A_932, %mul3A_941 : vector<16xf32>
          %sub3A_943 = arith.subf %add3A_942, %add3A_939 : vector<16xf32>
          %mul3A_944 = arith.mulf %sub3A_943, %broadcast_in_dim3A_589 : vector<16xf32>
          %add3A_945 = arith.addf %add3A_939, %mul3A_944 : vector<16xf32>
          %swap3A_946 = arith.index_cast %scan3A_542 : i32 to index
          %swap3A_947 = arith.constant 176 : index
          %swap3A_948 = tpu.vector_load %arg16[%swap3A_946, %swap3A_947] {strides = array<i32>} : memref<49x256xf32, #tpu.memory_space<vmem>>, vector<1x16xf32>,
          %swap3A_949 = vector.shape_cast %swap3A_948 : vector<1x16xf32> to vector<16xf32>
          %swap3A_950 = vector.shape_cast %add3A_945 : vector<16xf32> to vector<1x16xf32>
          tpu.vector_store %arg16[%swap3A_946, %swap3A_947], %swap3A_950 {strides = array<i32>} : memref<49x256xf32, #tpu.memory_space<vmem>>, vector<1x16xf32>,
          %get3A_951 = arith.index_cast %scan3A_542 : i32 to index
          %get3A_952 = arith.constant 192 : index
          %get3A_953 = tpu.vector_load %arg12[%get3A_951, %get3A_952] {strides = array<i32>} : memref<56x256xf32, #tpu.memory_space<vmem>>, vector<1x16xf32>,
          %get3A_954 = vector.shape_cast %get3A_953 : vector<1x16xf32> to vector<16xf32>
          %get3A_955 = arith.index_cast %scan3A_542 : i32 to index
          %get3A_956 = arith.constant 192 : index
          %get3A_957 = tpu.vector_load %arg13[%get3A_955, %get3A_956] {strides = array<i32>} : memref<56x256xf32, #tpu.memory_space<vmem>>, vector<1x16xf32>,
          %get3A_958 = vector.shape_cast %get3A_957 : vector<1x16xf32> to vector<16xf32>
          %get3A_959 = arith.index_cast %scan3A_542 : i32 to index
          %get3A_960 = arith.constant 192 : index
          %get3A_961 = tpu.vector_load %arg14[%get3A_959, %get3A_960] {strides = array<i32>} : memref<56x256xf32, #tpu.memory_space<vmem>>, vector<1x16xf32>,
          %get3A_962 = vector.shape_cast %get3A_961 : vector<1x16xf32> to vector<16xf32>
          %get3A_963 = arith.index_cast %scan3A_542 : i32 to index
          %get3A_964 = arith.constant 192 : index
          %get3A_965 = tpu.vector_load %arg15[%get3A_963, %get3A_964] {strides = array<i32>} : memref<56x256xf32, #tpu.memory_space<vmem>>, vector<1x16xf32>,
          %get3A_966 = vector.shape_cast %get3A_965 : vector<1x16xf32> to vector<16xf32>
          %sub3A_967 = arith.subf %get3A_958, %get3A_954 : vector<16xf32>
          %mul3A_968 = arith.mulf %sub3A_967, %broadcast_in_dim3A_590 : vector<16xf32>
          %add3A_969 = arith.addf %get3A_954, %mul3A_968 : vector<16xf32>
          %sub3A_970 = arith.subf %get3A_966, %get3A_962 : vector<16xf32>
          %mul3A_971 = arith.mulf %sub3A_970, %broadcast_in_dim3A_590 : vector<16xf32>
          %add3A_972 = arith.addf %get3A_962, %mul3A_971 : vector<16xf32>
          %sub3A_973 = arith.subf %add3A_972, %add3A_969 : vector<16xf32>
          %mul3A_974 = arith.mulf %sub3A_973, %broadcast_in_dim3A_589 : vector<16xf32>
          %add3A_975 = arith.addf %add3A_969, %mul3A_974 : vector<16xf32>
          %swap3A_976 = arith.index_cast %scan3A_542 : i32 to index
          %swap3A_977 = arith.constant 192 : index
          %swap3A_978 = tpu.vector_load %arg16[%swap3A_976, %swap3A_977] {strides = array<i32>} : memref<49x256xf32, #tpu.memory_space<vmem>>, vector<1x16xf32>,
          %swap3A_979 = vector.shape_cast %swap3A_978 : vector<1x16xf32> to vector<16xf32>
          %swap3A_980 = vector.shape_cast %add3A_975 : vector<16xf32> to vector<1x16xf32>
          tpu.vector_store %arg16[%swap3A_976, %swap3A_977], %swap3A_980 {strides = array<i32>} : memref<49x256xf32, #tpu.memory_space<vmem>>, vector<1x16xf32>,
          %get3A_981 = arith.index_cast %scan3A_542 : i32 to index
          %get3A_982 = arith.constant 208 : index
          %get3A_983 = tpu.vector_load %arg12[%get3A_981, %get3A_982] {strides = array<i32>} : memref<56x256xf32, #tpu.memory_space<vmem>>, vector<1x16xf32>,
          %get3A_984 = vector.shape_cast %get3A_983 : vector<1x16xf32> to vector<16xf32>
          %get3A_985 = arith.index_cast %scan3A_542 : i32 to index
          %get3A_986 = arith.constant 208 : index
          %get3A_987 = tpu.vector_load %arg13[%get3A_985, %get3A_986] {strides = array<i32>} : memref<56x256xf32, #tpu.memory_space<vmem>>, vector<1x16xf32>,
          %get3A_988 = vector.shape_cast %get3A_987 : vector<1x16xf32> to vector<16xf32>
          %get3A_989 = arith.index_cast %scan3A_542 : i32 to index
          %get3A_990 = arith.constant 208 : index
          %get3A_991 = tpu.vector_load %arg14[%get3A_989, %get3A_990] {strides = array<i32>} : memref<56x256xf32, #tpu.memory_space<vmem>>, vector<1x16xf32>,
          %get3A_992 = vector.shape_cast %get3A_991 : vector<1x16xf32> to vector<16xf32>
          %get3A_993 = arith.index_cast %scan3A_542 : i32 to index
          %get3A_994 = arith.constant 208 : index
          %get3A_995 = tpu.vector_load %arg15[%get3A_993, %get3A_994] {strides = array<i32>} : memref<56x256xf32, #tpu.memory_space<vmem>>, vector<1x16xf32>,
          %get3A_996 = vector.shape_cast %get3A_995 : vector<1x16xf32> to vector<16xf32>
          %sub3A_997 = arith.subf %get3A_988, %get3A_984 : vector<16xf32>
          %mul3A_998 = arith.mulf %sub3A_997, %broadcast_in_dim3A_590 : vector<16xf32>
          %add3A_999 = arith.addf %get3A_984, %mul3A_998 : vector<16xf32>
          %sub3A_1000 = arith.subf %get3A_996, %get3A_992 : vector<16xf32>
          %mul3A_1001 = arith.mulf %sub3A_1000, %broadcast_in_dim3A_590 : vector<16xf32>
          %add3A_1002 = arith.addf %get3A_992, %mul3A_1001 : vector<16xf32>
          %sub3A_1003 = arith.subf %add3A_1002, %add3A_999 : vector<16xf32>
          %mul3A_1004 = arith.mulf %sub3A_1003, %broadcast_in_dim3A_589 : vector<16xf32>
          %add3A_1005 = arith.addf %add3A_999, %mul3A_1004 : vector<16xf32>
          %swap3A_1006 = arith.index_cast %scan3A_542 : i32 to index
          %swap3A_1007 = arith.constant 208 : index
          %swap3A_1008 = tpu.vector_load %arg16[%swap3A_1006, %swap3A_1007] {strides = array<i32>} : memref<49x256xf32, #tpu.memory_space<vmem>>, vector<1x16xf32>,
          %swap3A_1009 = vector.shape_cast %swap3A_1008 : vector<1x16xf32> to vector<16xf32>
          %swap3A_1010 = vector.shape_cast %add3A_1005 : vector<16xf32> to vector<1x16xf32>
          tpu.vector_store %arg16[%swap3A_1006, %swap3A_1007], %swap3A_1010 {strides = array<i32>} : memref<49x256xf32, #tpu.memory_space<vmem>>, vector<1x16xf32>,
          %get3A_1011 = arith.index_cast %scan3A_542 : i32 to index
          %get3A_1012 = arith.constant 224 : index
          %get3A_1013 = tpu.vector_load %arg12[%get3A_1011, %get3A_1012] {strides = array<i32>} : memref<56x256xf32, #tpu.memory_space<vmem>>, vector<1x16xf32>,
          %get3A_1014 = vector.shape_cast %get3A_1013 : vector<1x16xf32> to vector<16xf32>
          %get3A_1015 = arith.index_cast %scan3A_542 : i32 to index
          %get3A_1016 = arith.constant 224 : index
          %get3A_1017 = tpu.vector_load %arg13[%get3A_1015, %get3A_1016] {strides = array<i32>} : memref<56x256xf32, #tpu.memory_space<vmem>>, vector<1x16xf32>,
          %get3A_1018 = vector.shape_cast %get3A_1017 : vector<1x16xf32> to vector<16xf32>
          %get3A_1019 = arith.index_cast %scan3A_542 : i32 to index
          %get3A_1020 = arith.constant 224 : index
          %get3A_1021 = tpu.vector_load %arg14[%get3A_1019, %get3A_1020] {strides = array<i32>} : memref<56x256xf32, #tpu.memory_space<vmem>>, vector<1x16xf32>,
          %get3A_1022 = vector.shape_cast %get3A_1021 : vector<1x16xf32> to vector<16xf32>
          %get3A_1023 = arith.index_cast %scan3A_542 : i32 to index
          %get3A_1024 = arith.constant 224 : index
          %get3A_1025 = tpu.vector_load %arg15[%get3A_1023, %get3A_1024] {strides = array<i32>} : memref<56x256xf32, #tpu.memory_space<vmem>>, vector<1x16xf32>,
          %get3A_1026 = vector.shape_cast %get3A_1025 : vector<1x16xf32> to vector<16xf32>
          %sub3A_1027 = arith.subf %get3A_1018, %get3A_1014 : vector<16xf32>
          %mul3A_1028 = arith.mulf %sub3A_1027, %broadcast_in_dim3A_590 : vector<16xf32>
          %add3A_1029 = arith.addf %get3A_1014, %mul3A_1028 : vector<16xf32>
          %sub3A_1030 = arith.subf %get3A_1026, %get3A_1022 : vector<16xf32>
          %mul3A_1031 = arith.mulf %sub3A_1030, %broadcast_in_dim3A_590 : vector<16xf32>
          %add3A_1032 = arith.addf %get3A_1022, %mul3A_1031 : vector<16xf32>
          %sub3A_1033 = arith.subf %add3A_1032, %add3A_1029 : vector<16xf32>
          %mul3A_1034 = arith.mulf %sub3A_1033, %broadcast_in_dim3A_589 : vector<16xf32>
          %add3A_1035 = arith.addf %add3A_1029, %mul3A_1034 : vector<16xf32>
          %swap3A_1036 = arith.index_cast %scan3A_542 : i32 to index
          %swap3A_1037 = arith.constant 224 : index
          %swap3A_1038 = tpu.vector_load %arg16[%swap3A_1036, %swap3A_1037] {strides = array<i32>} : memref<49x256xf32, #tpu.memory_space<vmem>>, vector<1x16xf32>,
          %swap3A_1039 = vector.shape_cast %swap3A_1038 : vector<1x16xf32> to vector<16xf32>
          %swap3A_1040 = vector.shape_cast %add3A_1035 : vector<16xf32> to vector<1x16xf32>
          tpu.vector_store %arg16[%swap3A_1036, %swap3A_1037], %swap3A_1040 {strides = array<i32>} : memref<49x256xf32, #tpu.memory_space<vmem>>, vector<1x16xf32>,
          %get3A_1041 = arith.index_cast %scan3A_542 : i32 to index
          %get3A_1042 = arith.constant 240 : index
          %get3A_1043 = tpu.vector_load %arg12[%get3A_1041, %get3A_1042] {strides = array<i32>} : memref<56x256xf32, #tpu.memory_space<vmem>>, vector<1x16xf32>,
          %get3A_1044 = vector.shape_cast %get3A_1043 : vector<1x16xf32> to vector<16xf32>
          %get3A_1045 = arith.index_cast %scan3A_542 : i32 to index
          %get3A_1046 = arith.constant 240 : index
          %get3A_1047 = tpu.vector_load %arg13[%get3A_1045, %get3A_1046] {strides = array<i32>} : memref<56x256xf32, #tpu.memory_space<vmem>>, vector<1x16xf32>,
          %get3A_1048 = vector.shape_cast %get3A_1047 : vector<1x16xf32> to vector<16xf32>
          %get3A_1049 = arith.index_cast %scan3A_542 : i32 to index
          %get3A_1050 = arith.constant 240 : index
          %get3A_1051 = tpu.vector_load %arg14[%get3A_1049, %get3A_1050] {strides = array<i32>} : memref<56x256xf32, #tpu.memory_space<vmem>>, vector<1x16xf32>,
          %get3A_1052 = vector.shape_cast %get3A_1051 : vector<1x16xf32> to vector<16xf32>
          %get3A_1053 = arith.index_cast %scan3A_542 : i32 to index
          %get3A_1054 = arith.constant 240 : index
          %get3A_1055 = tpu.vector_load %arg15[%get3A_1053, %get3A_1054] {strides = array<i32>} : memref<56x256xf32, #tpu.memory_space<vmem>>, vector<1x16xf32>,
          %get3A_1056 = vector.shape_cast %get3A_1055 : vector<1x16xf32> to vector<16xf32>
          %sub3A_1057 = arith.subf %get3A_1048, %get3A_1044 : vector<16xf32>
          %mul3A_1058 = arith.mulf %sub3A_1057, %broadcast_in_dim3A_590 : vector<16xf32>
          %add3A_1059 = arith.addf %get3A_1044, %mul3A_1058 : vector<16xf32>
          %sub3A_1060 = arith.subf %get3A_1056, %get3A_1052 : vector<16xf32>
          %mul3A_1061 = arith.mulf %sub3A_1060, %broadcast_in_dim3A_590 : vector<16xf32>
          %add3A_1062 = arith.addf %get3A_1052, %mul3A_1061 : vector<16xf32>
          %sub3A_1063 = arith.subf %add3A_1062, %add3A_1059 : vector<16xf32>
          %mul3A_1064 = arith.mulf %sub3A_1063, %broadcast_in_dim3A_589 : vector<16xf32>
          %add3A_1065 = arith.addf %add3A_1059, %mul3A_1064 : vector<16xf32>
          %swap3A_1066 = arith.index_cast %scan3A_542 : i32 to index
          %swap3A_1067 = arith.constant 240 : index
          %swap3A_1068 = tpu.vector_load %arg16[%swap3A_1066, %swap3A_1067] {strides = array<i32>} : memref<49x256xf32, #tpu.memory_space<vmem>>, vector<1x16xf32>,
          %swap3A_1069 = vector.shape_cast %swap3A_1068 : vector<1x16xf32> to vector<16xf32>
          %swap3A_1070 = vector.shape_cast %add3A_1065 : vector<16xf32> to vector<1x16xf32>
          tpu.vector_store %arg16[%swap3A_1066, %swap3A_1067], %swap3A_1070 {strides = array<i32>} : memref<49x256xf32, #tpu.memory_space<vmem>>, vector<1x16xf32>,
        }
        %scan3A_540 = arith.constant 49 : i32
        %add3A_541 = arith.addi %mul3A_2, %scan3A_14 : i32
        "tpu.region"() ({
          %run_scoped3A = tpu.sem_alloc : memref<!tpu.dma_semaphore, #tpu.memory_space<semaphore_mem>>
          %dma_start3A_542 = arith.constant 0 : i32
          %dma_start3A_543 = arith.constant 0 : i32
          %dma_start3A_544 = tpu.memref_slice %arg5[%add3A_541, %dma_start3A_542, %dma_start3A_543] : memref<1000x49x256xf32, #tpu.memory_space<hbm>> -> memref<1x49x256xf32, #tpu.memory_space<hbm>>
          %dma_start3A_545 = tpu.memref_squeeze %dma_start3A_544 : memref<1x49x256xf32, #tpu.memory_space<hbm>> -> memref<49x256xf32, #tpu.memory_space<hbm>>
          %dma_start3A_546 = arith.constant 0 : i32
          %dma_start3A_547 = arith.constant 0 : i32
          %dma_start3A_548 = tpu.memref_slice %arg5[%add3A_541, %dma_start3A_546, %dma_start3A_547] : memref<1000x49x256xf32, #tpu.memory_space<hbm>> -> memref<1x49x256xf32, #tpu.memory_space<hbm>>
          %dma_start3A_549 = tpu.memref_squeeze %dma_start3A_548 : memref<1x49x256xf32, #tpu.memory_space<hbm>> -> memref<49x256xf32, #tpu.memory_space<hbm>>
          tpu.enqueue_dma source(%arg16 : memref<49x256xf32, #tpu.memory_space<vmem>>) target(%dma_start3A_549 : memref<49x256xf32, #tpu.memory_space<hbm>>) target_semaphore(%run_scoped3A : memref<!tpu.dma_semaphore, #tpu.memory_space<semaphore_mem>>)
          %dma_wait3A_550 = arith.constant 0 : i32
          %dma_wait3A_551 = arith.constant 0 : i32
          %dma_wait3A_552 = tpu.memref_slice %arg5[%add3A_541, %dma_wait3A_550, %dma_wait3A_551] : memref<1000x49x256xf32, #tpu.memory_space<hbm>> -> memref<1x49x256xf32, #tpu.memory_space<hbm>>
          %dma_wait3A_553 = tpu.memref_squeeze %dma_wait3A_552 : memref<1x49x256xf32, #tpu.memory_space<hbm>> -> memref<49x256xf32, #tpu.memory_space<hbm>>
          %dma_wait3A_554 = arith.constant 0 : i32
          %dma_wait3A_555 = arith.constant 0 : i32
          %dma_wait3A_556 = tpu.memref_slice %arg5[%add3A_541, %dma_wait3A_554, %dma_wait3A_555] : memref<1000x49x256xf32, #tpu.memory_space<hbm>> -> memref<1x49x256xf32, #tpu.memory_space<hbm>>
          %dma_wait3A_557 = tpu.memref_squeeze %dma_wait3A_556 : memref<1x49x256xf32, #tpu.memory_space<hbm>> -> memref<49x256xf32, #tpu.memory_space<hbm>>
          tpu.wait_dma2 semaphore(%run_scoped3A : memref<!tpu.dma_semaphore, #tpu.memory_space<semaphore_mem>>) src(%arg16 : memref<49x256xf32, #tpu.memory_space<vmem>>) dst(%dma_wait3A_557 : memref<49x256xf32, #tpu.memory_space<hbm>>)
          tpu.yield
        }) : () -> ()
      } else {
      }
    }
    %scan3A_13 = arith.constant 32 : i32
    return
  }
}

</mosaic_0001>

<sc_bundles>
// kernel: _run.3.cloned.1.call-start
scs
__scs_entry_jumppad:
0x0: {  	(pc) =	sbr.rel $0x88, $3  }
0x1: {  	(tag) =	ssettag $0x0;
	lr =	simm.s32 $0x1  }
0x2: {  	[smem:$0x3F9E] =	sst lr;
	_ =	strace $0xD0000000  }
0x3: {  	_ = 	snop  }
0x4: {  	_ = 	snop  }
0x5: {  	_ = 	snop  }
0x6: {  	_ = 	snop  }
0x7: {  	_ = 	snop  }
__scs_overlays_trampoline_lowered:
0x8: {  	[smem:$0x3FAD] =	sst s0  }
0x9: {  	[smem:$0x3FAE] =	sst s1  }
0xa: {  	[smem:$0x3FAF] =	sst s2  }
0xb: {  	[smem:$0x3FB0] =	sst s3  }
0xc: {  	[smem:$0x3FB1] =	sst s4  }
0xd: {  	[smem:$0x3FB2] =	sst s5  }
0xe: {  	[smem:$0x3FB3] =	sst s6  }
0xf: {  	[smem:$0x3FB4] =	sst s7  }
0x10: {  	[smem:$0x3FB5] =	sst s8  }
0x11: {  	[smem:$0x3FB6] =	sst s9;
	s0 =	simm.s32 @!p0 $0x0  }
0x12: {  	s1 =	sld [smem:$0x3F9C];
	s0 =	simm.s32 @p0 $0x1  }
0x13: {  	[smem:$0x3FB7] =	sst s0;
	s0 =	simm.s32 @!p1 $0x0  }
0x14: {  	s2 =	sld [smem:$0x3F9B];
	s0 =	simm.s32 @p1 $0x1  }
0x15: {  	[smem:$0x3FB8] =	sst s0;
	s0 =	simm.s32 @!p2 $0x0  }
0x16: {  	s3 =	sld [smem:$0x3FDB];
	s0 =	simm.s32 @p2 $0x1  }
0x17: {  	s4 =	simm.s32 $0x1BF5;
	[smem:$0x3FBA] =	sst s0  }
0x18: {  	s0 =	sld [smem:$0x3F9D];
	_ =	swait.ge [sflag:s4], $0x0  }
0x19: {  	s7 =	sld [smem:$0x3F9E]  }
0x1a: {  	s8 =	sadd.s32 $0xFFFFE003, lr  }
0x1b: {  	s9 =	sadd.s32 $0xFFFFFEF7, lr;
	s5 =	simm.s32 $0xFFFFFFFF;
	p2 =	slt.u32 s8, $0xFFFFF086  }
0x1c: {  	p1 =	slt.u32 s9, $0xF7A;
	s5 =	simm.s32 @!p2 $0x0  }
0x1d: {  	s5 =	simm.s32 @p1 $0x1;
	p0 =	seq.s32 s7, s2  }
0x1e: {  	s7 =	smul.u32 @!p0 $0xF7A, s2;
	p2 =	seq.s32 @!p0 s5, $0x0  }
0x1f: {  	s9 =	smul.u32 $0xF7A, s1;
	s8 =	simm.s32 @!p0 $0x1BF5;
	p2 =	por !p2, p0  }
0x20: {  	[sflag:s8] =	ssyncset.s32 @!p0 $0xFFFFF086;
	s6 =	sadd.s32 @!p0 s3, s7;
	s7 =	simm.s32 @!p0 $0x108  }
0x21: {  	s3 =	sadd.s32 s3, s9;
	s6 =	sadd.s32 @!p0 $0x88, s6;
	s7 =	simm.s32 @p2 $0x1082  }
0x22: {  	[simem:s7], [sflag:s8] =	dma.local @!p0 [hbm:s6], $0xF7A  }
0x23: {  	s9 =	sor.u32 $0xD0000000, s2;
	s6 =	simm.s32 $0x108;
	_ =	swait.ge @!p0 [sflag:s8], $0x0  }
0x24: {  	s3 =	sadd.s32 $0x88, s3;
	s6 =	simm.s32 @!p1 $0x1082;
	[sflag:s4] =	ssyncset.s32 $0xFFFFF086  }
0x25: {  	[simem:s6], [sflag:s4] =	dma.local [hbm:s3], $0xF7A  }
0x26: {  	[smem:$0x3F9E] =	sst s1;
	(tag) =	ssettag s2;
	_ =	strace s9  }
0x27: {  	s1 =	sld [smem:$0x3FAE]  }
0x28: {  	s2 =	sld [smem:$0x3FAF]  }
0x29: {  	s4 =	sld [smem:$0x3FB1]  }
0x2a: {  	p0 =	seq.s32 s5, $0x0;
	s5 =	sld [smem:$0x3FB2]  }
0x2b: {  	s6 =	sld [smem:$0x3FB3]  }
0x2c: {  	s7 =	sld [smem:$0x3FB4]  }
0x2d: {  	s3 =	simm.s32 $0x108;
	s8 =	sld [smem:$0x3FB5]  }
0x2e: {  	s3 =	simm.s32 @!p0 $0x1082;
	s9 =	sld [smem:$0x3FB6]  }
0x2f: {  	lr =	sadd.s32 s0, s3;
	s0 =	sld [smem:$0x3FAD]  }
0x30: {  	s3 =	sld [smem:$0x3FB0]  }
0x31: {  	[smem:$0x3FB9] =	sst s10  }
0x32: {  	s10 =	sld [smem:$0x3FB7];
	_ =	sdelay $0x3  }
0x33: {  	p0 =	seq.s32 s10, $0x1;
	s10 =	sld [smem:$0x3FB9];
	_ =	sdelay $0x3  }
0x34: {  	[smem:$0x3FB9] =	sst s10  }
0x35: {  	s10 =	sld [smem:$0x3FB8];
	_ =	sdelay $0x3  }
0x36: {  	p1 =	seq.s32 s10, $0x1;
	s10 =	sld [smem:$0x3FB9];
	_ =	sdelay $0x3  }
0x37: {  	[smem:$0x3FB9] =	sst s10  }
0x38: {  	s10 =	sld [smem:$0x3FBA]  }
0x39: {  	_ = 	snop;
	(pc) =	sbr.ind lr, $3  }
0x3a: {  	_ = 	snop  }
0x3b: {  	_ = 	snop  }
0x3c: {  	p2 =	seq.s32 s10, $0x1;
	s10 =	sld [smem:$0x3FB9]  }
0x3d: {  	_ =	shalt  }
0x3e: {  	_ =	shalt  }
0x3f: {  	_ =	shalt  }
0x40: {  	_ =	shalt  }
0x41: {  	_ =	shalt  }
0x42: {  	_ =	shalt  }
0x43: {  	_ =	shalt  }
0x44: {  	_ =	shalt  }
0x45: {  	_ =	shalt  }
0x46: {  	_ =	shalt  }
0x47: {  	_ =	shalt  }
0x48: {  	_ =	shalt  }
0x49: {  	_ =	shalt  }
0x4a: {  	_ =	shalt  }
0x4b: {  	_ =	shalt  }
0x4c: {  	_ =	shalt  }
0x4d: {  	_ =	shalt  }
0x4e: {  	_ =	shalt  }
0x4f: {  	_ =	shalt  }
0x50: {  	_ =	shalt  }
0x51: {  	_ =	shalt  }
0x52: {  	_ =	shalt  }
0x53: {  	_ =	shalt  }
0x54: {  	_ =	shalt  }
0x55: {  	_ =	shalt  }
0x56: {  	_ =	shalt  }
0x57: {  	_ =	shalt  }
0x58: {  	_ =	shalt  }
0x59: {  	_ =	shalt  }
0x5a: {  	_ =	shalt  }
0x5b: {  	_ =	shalt  }
0x5c: {  	_ =	shalt  }
0x5d: {  	_ =	shalt  }
0x5e: {  	_ =	shalt  }
0x5f: {  	_ =	shalt  }
0x60: {  	_ =	shalt  }
0x61: {  	_ =	shalt  }
0x62: {  	_ =	shalt  }
0x63: {  	_ =	shalt  }
0x64: {  	_ =	shalt  }
0x65: {  	_ =	shalt  }
0x66: {  	_ =	shalt  }
0x67: {  	_ =	shalt  }
0x68: {  	_ =	shalt  }
0x69: {  	_ =	shalt  }
0x6a: {  	_ =	shalt  }
0x6b: {  	_ =	shalt  }
0x6c: {  	_ =	shalt  }
0x6d: {  	_ =	shalt  }
0x6e: {  	_ =	shalt  }
0x6f: {  	_ =	shalt  }
0x70: {  	_ =	shalt  }
0x71: {  	_ =	shalt  }
0x72: {  	_ =	shalt  }
0x73: {  	_ =	shalt  }
0x74: {  	_ =	shalt  }
0x75: {  	_ =	shalt  }
0x76: {  	_ =	shalt  }
0x77: {  	_ =	shalt  }
0x78: {  	_ =	shalt  }
0x79: {  	_ =	shalt  }
0x7a: {  	_ =	shalt  }
0x7b: {  	_ =	shalt  }
0x7c: {  	_ =	shalt  }
0x7d: {  	_ =	shalt  }
0x7e: {  	_ =	shalt  }
0x7f: {  	_ =	shalt  }
0x80: {  	_ =	shalt  }
0x81: {  	_ =	shalt  }
0x82: {  	_ =	shalt  }
0x83: {  	_ =	shalt  }
0x84: {  	_ =	shalt  }
0x85: {  	_ =	shalt  }
0x86: {  	_ =	shalt  }
0x87: {  	_ =	shalt  }
.Lfunc_end0:
.L_simem_size_0:
called_computation_lowered:
.L_overlay_start_0:
0x88: {  	s2 =	sld [smem:$0x3FD9]  }
0x89: {  	s3 =	sld [smem:$0x3FFE];
	_ =	sdelay $0x1  }
0x8a: {  	s1 =	srdreg.scid  }
0x8b: {  	s0 =	sand.u32 $0x1, s1  }
0x8c: {  	s17 =	sshll.u32 s0, $0xA;
	s2 =	sadd.s32 s3, s2  }
0x8d: {  	s2 =	sadd.s32 s2, s17  }
0x8e: {  	[smem:$0x3FC5] =	sst s2  }
0x8f: {  	_ = 	snop  }
0x90: {  	s2 =	sld [smem:$0x3FC9]  }
0x91: {  	s18 =	sld [smem:$0x3FC8]  }
0x92: {  	s4 =	sld [smem:$0x3FC7];
	(tm) =	ssettm $0x1  }
0x93: {  	s5 =	sld [smem:$0x3FFB];
	_ =	sdelay $0x3  }
0x94: {  	_ =	strace s5  }
0x95: {  	s5 =	sld [smem:$0x3FFC];
	_ =	sdelay $0x3  }
0x96: {  	_ =	strace s5  }
0x97: {  	s5 =	sld [smem:$0x3FFD];
	_ =	sdelay $0x3  }
0x98: {  	_ =	strace s5  }
0x99: {  	_ =	strace $0x8FFFFFFF  }
0x9a: {  	s19 =	sld [smem:$0x3FDB];
	_ =	sdelay $0x1  }
0x9b: {  	s6 =	simm.s32 $_scs_section_size  }
0x9c: {  	s7 =	simm.s32 $_size__tile_overlayer_lowered;
	s8 =	simm.s32 $_tile_overlayer_lowered  }
0x9d: {  	s22 =	simm.s32 $0x1BFF;
	s21 =	sshll.u32 s8, $0x1;
	s5 =	sadd.s32 s6, s19  }
0x9e: {  	s9 =	simm.s32 $0x0;
	s20 =	sshll.u32 s7, $0x1;
	s7 =	sadd.s32 s21, s5  }
0x9f: {  	[timem:s9], [sflag:s22] =	dma.local [hbm:s7], s20  }
0xa0: {  	_ =	swait.ge [sflag:s22], s20  }
0xa1: {  	s6 =	ssub.s32 $0x0, s20;
	[sflag:s22] =	ssyncset.done $0x0  }
0xa2: {  	[sflag:s22] =	ssyncadd.s32 s6;
	_ =	sdelay $0x1  }
0xa3: {  	s23 =	simm.s32 $0x1B8B  }
0xa4: {  	_ =	swait.ge [sflag:s23], $0x1  }
0xa5: {  	[sflag:s23] =	ssyncset.done $0x0  }
0xa6: {  	s25 =	simm.s32 $0x1B8E;
	s24 =	sld [smem:$0x3FFE];
	[sflag:s23] =	ssyncadd.s32 $0xFFFFFFFF  }
0xa7: {  	s26 =	simm.s32 $execute0_lowered;
	[smem:$0x3FD2] =	sst s25  }
0xa8: {  	s7 =	sshll.u32 s26, $0x1;
	_ =	strace $0x80000046;
	[dreg:$0x1] =	wrdreg $0xFFFFFFFF  }
0xa9: {  	s28 =	simm.s32 $_size_execute0_lowered;
	s5 =	sadd.s32 s5, s7;
	[dreg:$0x0] =	wrdreg $0x0  }
0xaa: {  	s7 =	sshll.u32 s28, $0x1;
	[dreg:$0x2] =	wrdreg s5  }
0xab: {  	[dreg:$0x3] =	wrdreg s7  }
0xac: {  	[dreg:$0x4] =	wrdreg $0xC0  }
0xad: {  	_ =	task [dreg:s9], $0x5FFFF  }
0xae: {  	[dreg:$0x1] =	wrdreg $0xFFFFFFFF  }
0xaf: {  	[dreg:$0x0] =	wrdreg $0x60  }
0xb0: {  	[dreg:$0x2] =	wrdreg s2  }
0xb1: {  	[dreg:$0x3] =	wrdreg s18  }
0xb2: {  	[dreg:$0x4] =	wrdreg s4  }
0xb3: {  	[dreg:$0x5] =	wrdreg s24  }
0xb4: {  	[dreg:$0x6] =	wrdreg $0x9  }
0xb5: {  	_ =	task.clear_ibuf [dreg:s9], $0x7FFFF;
	_ =	strace $0x90000046  }
0xb6: {  	s29 =	simm.s32 $0x9;
	_ =	strace $0x80000048  }
0xb7: {  	_ =	swait.ge [sflag:s29], $0x1  }
0xb8: {  	[sflag:s29] =	ssyncadd.s32 $0xFFFFFFFF  }
0xb9: {  	_ =	strace $0x90000048  }
0xba: {  	_ =	sfence  }
0xbb: {  	s30 =	sld [smem:$0x0];
	_ =	sdelay $0x2  }
0xbc: {  	s31 =	sshll.u32 s1, $0xD;
	s1 =	sshrl.u32 s1, $0x2  }
0xbd: {  	s3 =	sand.u32 $0x4000, s31;
	s1 =	sadd.s32 s1, s30  }
0xbe: {  	s0 =	sor.u32 s3, s0;
	s1 =	sshll.u32 s1, $0x11  }
0xbf: {  	s0 =	sor.u32 s1, s0  }
0xc0: {  	s0 =	sadd.s32 $0x8F2B, s0  }
0xc1: {  	[sflag:s0] =	ssyncadd.remote.s32 $0x1  }
0xc2: {  	_ =	sfence.sel $0xFFFF  }
0xc3: {  	[dreg:$0x0] =	wrdreg $0xFFFFFFFF;
	(pc) =	sbr.abs _section_cstart, $3  }
0xc4: {  	[dreg:$0x1] =	wrdreg $0xFFFFFFFF  }
0xc5: {  	_ =	task.clear_ibuf [dreg:s9], $0x2FFFF;
	_ =	strace $0x9FFFFFFF  }
0xc6: {  	(tm) =	ssettm $0x7FFFFFFF  }
0xc7: {  	_ =	shalt  }
tec
execute0_lowered:
.L_overlay_start_1:
0x0: {  	(tag) =	ssettag $0x1  }
0x1: {  	vm0 =	vcmask $0x300;
	v0 =	vimm.f32 $1.000000000e+00;
	vm12 =	vcmask $0xB08  }
0x2: {  	vm11 =	vcmask $0xF0C;
	vm1 =	vcmask $0x1B00;
	vm9 =	vcmask $0x1310  }
0x3: {  	v1 =	vimm.f32 $2.000000000e+00;
	vm10 =	vcmask $0x1714;
	vm8 =	vcmask $0x1B18  }
0x4: {  	vm7 =	vcmask $0x1F1C;
	vm6 =	vcmask $0x2724;
	v0 =	vsel vm0, $0x0, v0  }
0x5: {  	vm5 =	vcmask $0x2B28;
	vm4 =	vcmask $0x2F2C;
	v0 =	vsel vm12, $0x40000000, v0  }
0x6: {  	vm3 =	vcmask $0x3330;
	vm2 =	vcmask $0x3734;
	v0 =	vsel vm11, $0x40400000, v0  }
0x7: {  	vm13 =	vcmask $0x1300;
	v3 =	vimm.f32 $4.000000000e+00;
	v0 =	vsel vm9, $0x40800000, v0  }
0x8: {  	v4 =	vimm.f32 $5.000000000e+00;
	vm14 =	vcmask $0xB00;
	v0 =	vsel vm10, $0x40A00000, v0  }
0x9: {  	v1 =	vsel vm1, $0x0, v1;
	vm1 =	vcmask $0x371C;
	v2 =	vsel vm8, $0x40C00000, v0  }
0xa: {  	v0 =	vsel vm1, $0x3F800000, v1;
	v1 =	vsel vm7, $0x0, v2;
	v2 =	vimm.f32 $3.000000000e+00  }
0xb: {  	v6 =	vimm.f32 $6.000000000e+00;
	vm15 =	vcmask $0x270C;
	v2 =	vsel vm0, $0x40000000, v2  }
0xc: {  	v10 =	vlaneseq.u32;
	v3 =	vsel vm13, $0x40000000, v3;
	v2 =	vsel vm12, $0x40800000, v2  }
0xd: {  	v4 =	vsel vm0, $0x40800000, v4;
	vm13 =	vcmask $0x2F14;
	v2 =	vsel vm11, $0x40A00000, v2  }
0xe: {  	v6 =	vsel vm14, $0x40800000, v6;
	v4 =	vsel vm12, $0x40C00000, v4;
	v2 =	vsel vm9, $0x40C00000, v2  }
0xf: {  	v8 =	vand.u32 $0x7, v10;
	v4 =	vsel vm11, $0x0, v4;
	v2 =	vsel vm10, $0x0, v2  }
0x10: {  	v9 =	vshrl.u32 v10, $0x3;
	v4 =	vsel vm9, $0x3F800000, v4;
	v2 =	vsel vm8, $0x3F800000, v2  }
0x11: {  	v10 =	vor.u32 $0x8, v10;
	v4 =	vsel vm10, $0x40000000, v4;
	v2 =	vsel vm7, $0x40000000, v2  }
0x12: {  	v9 =	vmul.u32 $0x8, v9;
	v4 =	vsel vm8, $0x40400000, v4;
	v5 =	vsel vm6, $0x40800000, v2  }
0x13: {  	v2 =	vsel vm13, $0x40400000, v3;
	v3 =	vsel vm5, $0x40A00000, v5;
	v5 =	vimm.f32 $0.0e+00  }
0x14: {  	s0 =	rddreg [dreg:$0x0];
	vm1 =	vcmask $0x3B38;
	v4 =	vsel vm7, $0x40800000, v4;
	v5 =	vsel vm0, $0x40C00000, v5  }
0x15: {  	s1 =	rddreg [dreg:$0x2];
	v1 =	vsel vm6, $0x40000000, v1;
	v4 =	vsel vm6, $0x40C00000, v4;
	v5 =	vsel vm12, $0x3F800000, v5  }
0x16: {  	s2 =	rddreg [dreg:$0x3];
	v1 =	vsel vm5, $0x40400000, v1;
	v4 =	vsel vm5, $0x0, v4;
	v5 =	vsel vm11, $0x40000000, v5  }
0x17: {  	s3 =	srdreg.scid;
	s5 =	stileid.u32;
	v1 =	vsel vm4, $0x40800000, v1;
	v4 =	vsel vm4, $0x3F800000, v4;
	v5 =	vsel vm9, $0x40400000, v5  }
0x18: {  	s4 =	simm.s32 $0x0;
	s10 =	simm.s32 $0x2;
	s13 =	simm.s32 $0x1;
	v1 =	vsel vm3, $0x40A00000, v1;
	v7 =	vsel vm3, $0x40000000, v4;
	v5 =	vsel vm10, $0x40800000, v5  }
0x19: {  	s9 =	simm.s32 $0xCA80;
	s14 =	simm.s32 $0xD280;
	s15 =	simm.s32 $0xDA80;
	v4 =	vsel vm15, $0x40A00000, v6;
	v3 =	vsel vm4, $0x40C00000, v3;
	v5 =	vsel vm8, $0x40A00000, v5  }
0x1a: {  	s16 =	simm.s32 $0xE280;
	s17 =	simm.s32 $0xEA80;
	s3 =	sand.u32 $0x1, s3;
	v1 =	vsel vm2, $0x40C00000, v1;
	v3 =	vsel vm3, $0x0, v3;
	v5 =	vsel vm7, $0x40C00000, v5  }
0x1b: {  	s18 =	simm.s32 $0xF280;
	s5 =	sshll.u32 s5, $0x6;
	s6 =	sshll.u32 s3, $0x5;
	v6 =	vsel vm2, $0x40400000, v7;
	v3 =	vsel vm2, $0x3F800000, v3;
	v7 =	vsel vm6, $0x3F800000, v5  }
.Ltmp0:
0x1c: {  	s3 =	ssub.s32 $0x2, s3;
	s5 =	sor.u32 s6, s5;
	v1 =	vsel vm1, $0x0, v1;
	v3 =	vsel vm1, $0x40000000, v3;
	v7 =	vsel vm5, $0x40000000, v7;
	(pc) =	sbr.rel .LBB2_1-.Ltmp0, $4  }
0x1d: {  	[smem:$0x7FF] =	sst s4;
	s7 =	sshrl.u32 s3, $0x1;
	s8 =	sshrl.u32 s5, $0x3;
	v5 =	vsel vm1, $0x40800000, v6;
	v6 =	vimm.f32 $9.000000000e+00;
	v7 =	vsel vm4, $0x40400000, v7  }
0x1e: {  	_ =	strace $0x80000047;
	s30 =	ssub.s32 s3, s7;
	s1 =	sadd.s32 s1, s8;
	v6 =	vsel vm0, $0x40C00000, v6;
	vm0 =	vcmask $0x1F04;
	v7 =	vsel vm3, $0x40800000, v7  }
0x1f: {  	s6 =	sadd.s32 $0x400, s2;
	s31 =	smax.u32 s30, $0x1;
	[dreg:$0x5] =	wrdreg s1;
	v6 =	vsel vm0, $0x40E00000, v6;
	vm0 =	vcmask $0x3B20;
	v7 =	vsel vm2, $0x40A00000, v7  }
0x20: {  	s2 =	simm.s32 $0x0;
	s8 =	sxor.u32 $0x3E8, s5;
	[dreg:$0x6] =	wrdreg s31;
	v6 =	vsel vm0, $0x41000000, v6;
	vm0 =	vmmov $0xffff;
	v7 =	vsel vm1, $0x40C00000, v7  }
.LBB2_7:
0x21: {  	s2 =	rddreg [dreg:$0x7]  }
0x22: {  	s1 =	rddreg [dreg:$0x6];
	s2 =	sadd.s32 $0x1, s2  }
0x23: {  	p0 =	sne.s32 s2, s1  }
.Ltmp1:
0x24: {  	_ = 	snop;
	(pc) =	sbr.rel @!p0 .LBB2_8-.Ltmp1, $1  }
0x25: {  	_ =	sdelay $0x3  }
.LBB2_1:
0x26: {  	[dreg:$0x7] =	wrdreg s2  }
0x27: {  	s1 =	rddreg [dreg:$0x5]  }
0x28: {  	[tilespmem:s4], [sflag:$0x2] =	stream.linear.gather [hbm4b:s1+s4], $0x20, $0x38;
	[tilespmem:$0x12A80] =	vst v63  }
0x29: {  	_ =	swait.ge [sflag:s10], $0x20  }
0x2a: {  	[sflag:s10] =	ssyncset.done $0x0  }
0x2b: {  	s31 =	simm.s32 $0x20;
	[sflag:s10] =	ssyncadd.s32 $0xFFFFFFE0  }
.Ltmp2:
0x2c: {  	s3 =	simm.s32 $0x80;
	s30 =	rddreg [dreg:$0x1];
	(pc) =	sbr.rel .LBB2_2-.Ltmp2, $4  }
0x2d: {  	[tilespmem:s3], [sflag:$0x1] =	stream.indirect.gather [hbm4b:s30+s31], $0x80, s4, s31, $0xb8;
	[tilespmem:$0x12A80] =	vst v63  }
0x2e: {  	_ =	swait.ge [sflag:s13], $0x1000  }
0x2f: {  	[sflag:s13] =	ssyncset.done $0x0  }
0x30: {  	s19 =	simm.s32 $0x0;
	[sflag:s13] =	ssyncadd.s32 $0xFFFFF000  }
.LBB2_6:
0x31: {  	s19 =	sadd.s32 $0x1, s19  }
0x32: {  	p0 =	sne.s32 s19, $0x20  }
.Ltmp3:
0x33: {  	_ = 	snop;
	(pc) =	sbr.rel @!p0 .LBB2_7-.Ltmp3, $1  }
0x34: {  	_ =	sdelay $0x3  }
.LBB2_2:
0x35: {  	p0 =	sle.u32 s8, s19  }
.Ltmp4:
0x36: {  	_ = 	snop;
	(pc) =	sbr.rel @p0 .LBB2_6-.Ltmp4, $1  }
0x37: {  	_ =	sdelay $0x3  }
0x38: {  	s2 =	sshll.u32 s19, $0x7  }
0x39: {  	s2 =	sand.u32 $0x3FFFFF80, s2  }
0x3a: {  	v11 =	vld [tilespmem:s2+$0x80];
	_ =	sdelay $0x4  }
0x3b: {  	(v2sf) =	vpush v11, $0x0  }
0x3c: {  	(v2sf) =	vpush v11, $0x1  }
0x3d: {  	(v2sf) =	vpush v11, $0x2;
	_ =	sdelay $0x1  }
0x3e: {  	(v2sf) =	vpush v11, $0x3;
	_ =	sdelay $0xa  }
0x3f: {  	s1 =	spop (v2sf)  }
0x40: {  	s22 =	spop (v2sf)  }
0x41: {  	s20 =	spop (v2sf)  }
0x42: {  	s21 =	ssub.f32 s20, s1  }
0x43: {  	s23 =	spop (v2sf)  }
0x44: {  	(v2sf) =	vpush v11, $0x4;
	s23 =	ssub.f32 s23, s22;
	v11 =	vmul.f32 s21, v0;
	v13 =	vmul.f32 s21, v2  }
0x45: {  	v17 =	vmul.f32 s21, v4;
	v22 =	vmul.f32 s21, v6  }
0x46: {  	v12 =	vmul.f32 s23, v1;
	v14 =	vmul.f32 s23, v3  }
0x47: {  	v20 =	vmul.f32 s23, v5;
	v24 =	vmul.f32 s23, v7  }
0x48: {  	v11 =	vmul.f32 $2.116666600e+01, v11;
	v13 =	vmul.f32 $2.116666600e+01, v13  }
0x49: {  	s20 =	smul.f32 $1.270000000e+02, s1;
	v17 =	vmul.f32 $2.116666600e+01, v17;
	v22 =	vmul.f32 $2.116666600e+01, v22  }
0x4a: {  	v12 =	vmul.f32 $2.116666600e+01, v12;
	v14 =	vmul.f32 $2.116666600e+01, v14  }
0x4b: {  	s22 =	smul.f32 $1.270000000e+02, s22;
	v20 =	vmul.f32 $2.116666600e+01, v20;
	v11 =	vadd.f32 s20, v11;
	v13 =	vadd.f32 s20, v13  }
0x4c: {  	v24 =	vmul.f32 $2.116666600e+01, v24;
	v17 =	vadd.f32 s20, v17;
	v22 =	vadd.f32 s20, v22  }
0x4d: {  	v12 =	vadd.f32 s22, v12;
	v14 =	vadd.f32 s22, v14;
	v11 =	vmax.f32 v11, $0.0e+00  }
0x4e: {  	v13 =	vmax.f32 v13, $0.0e+00;
	v17 =	vmax.f32 v17, $0.0e+00;
	v11 =	vmin.f32 v11, $1.270000000e+02  }
0x4f: {  	v12 =	vmax.f32 v12, $0.0e+00;
	v13 =	vmin.f32 v13, $1.270000000e+02;
	v14 =	vmax.f32 v14, $0.0e+00  }
0x50: {  	v17 =	vmin.f32 v17, $1.270000000e+02;
	v11 =	vtrunc.f32 v11;
	v13 =	vtrunc.f32 v13  }
0x51: {  	v12 =	vmin.f32 v12, $1.270000000e+02;
	v17 =	vtrunc.f32 v17;
	v11 =	vcvt.f32.s32 v11  }
0x52: {  	v14 =	vmin.f32 v14, $1.270000000e+02;
	v12 =	vtrunc.f32 v12;
	v13 =	vcvt.f32.s32 v13  }
0x53: {  	v22 =	vmax.f32 v22, $0.0e+00;
	v14 =	vtrunc.f32 v14;
	v17 =	vcvt.f32.s32 v17  }
0x54: {  	v12 =	vcvt.f32.s32 v12;
	v14 =	vcvt.f32.s32 v14;
	v15 =	vadd.s32 $0x1, v11  }
0x55: {  	s3 =	spop (v2sf);
	v11 =	vshll.u32 v11, $0x7;
	v19 =	vadd.s32 $0x1, v13;
	v13 =	vshll.u32 v13, $0x7  }
0x56: {  	s2 =	scvt.f32.s32 s3;
	v23 =	vadd.s32 $0x1, v17;
	v17 =	vshll.u32 v17, $0x7;
	vm1 =	vlt.s32 v15, $0x7F  }
0x57: {  	v16 =	vadd.s32 $0x1, v12;
	v21 =	vadd.s32 $0x1, v14;
	v15 =	vnsel vm1, $0x7F, v15  }
0x58: {  	vm2 =	vlt.s32 v16, $0x7F;
	v11 =	vadd.s32 s2, v11;
	v15 =	vshll.u32 v15, $0x7  }
0x59: {  	vm1 =	vlt.s32 v19, $0x7F;
	v16 =	vnsel vm2, $0x7F, v16;
	v15 =	vadd.s32 s2, v15  }
0x5a: {  	v18 =	vadd.s32 v12, v11;
	v11 =	vadd.s32 v16, v11;
	v12 =	vadd.s32 v12, v15  }
0x5b: {  	v15 =	vadd.s32 v16, v15;
	v16 =	vnsel vm1, $0x7F, v19;
	vm1 =	vlt.s32 v21, $0x7F  }
0x5c: {  	v13 =	vadd.s32 s2, v13;
	v19 =	vadd.f32 s22, v20;
	v20 =	vnsel vm1, $0x7F, v21  }
0x5d: {  	v16 =	vshll.u32 v16, $0x7;
	v21 =	vadd.s32 v14, v13;
	vm1 =	vlt.s32 v23, $0x7F  }
0x5e: {  	[tilespmem:$0x1180] =	vst v12;
	v12 =	vadd.s32 s2, v17;
	v17 =	vmin.f32 v22, $1.270000000e+02;
	v19 =	vmax.f32 v19, $0.0e+00  }
0x5f: {  	[tilespmem:$0x1080] =	vst v18;
	v16 =	vadd.s32 s2, v16;
	v13 =	vadd.s32 v20, v13;
	v23 =	vnsel vm1, $0x7F, v23  }
0x60: {  	[tilespmem:$0x1100] =	vst v11;
	v19 =	vmin.f32 v19, $1.270000000e+02;
	v14 =	vadd.s32 v14, v16;
	v11 =	vshll.u32 v23, $0x7;
	v23 =	vld [tilespmem:$0x1080]  }
0x61: {  	v16 =	vadd.s32 v20, v16;
	v20 =	vadd.f32 s22, v24;
	v19 =	vtrunc.f32 v19  }
0x62: {  	v17 =	vtrunc.f32 v17;
	v19 =	vcvt.f32.s32 v19  }
0x63: {  	v17 =	vcvt.f32.s32 v17;
	v11 =	vadd.s32 s2, v11;
	v20 =	vmax.f32 v20, $0.0e+00  }
0x64: {  	[tilespmem:$0x1200] =	vst v15;
	v20 =	vmin.f32 v20, $1.270000000e+02;
	v25 =	vadd.s32 $0x1, v19;
	v15 =	vadd.s32 v19, v12  }
0x65: {  	[tilespmem:$0x1110] =	vst v13;
	v13 =	vadd.s32 v19, v11;
	vm1 =	vlt.s32 v25, $0x7F;
	v19 =	vshll.u32 v23, $0x1  }
0x66: {  	[tilespmem:$0x1210] =	vst v16;
	v16 =	vand.u32 $0x7, v23;
	v18 =	vnsel vm1, $0x7F, v25;
	v19 =	vand.u32 $0xFFFFFFF0, v19  }
0x67: {  	[tilespmem:$0x1090] =	vst v21;
	v12 =	vadd.s32 v18, v12;
	v11 =	vadd.s32 v18, v11;
	v18 =	vtrunc.f32 v20  }
0x68: {  	[tilespmem:$0x1190] =	vst v14;
	v16 =	vor.u32 v16, v19;
	v14 =	vcvt.f32.s32 v18;
	v18 =	vadd.s32 $0x1, v17  }
0x69: {  	[tilespmem:$0x1120] =	vst v12;
	v12 =	vshll.u32 v17, $0x7;
	v17 =	vperm.xlane v16, v8;
	vm1 =	vlt.s32 v18, $0x7F  }
0x6a: {  	[tilespmem:$0x10A0] =	vst v15;
	v12 =	vadd.s32 s2, v12;
	v15 =	vnsel vm1, $0x7F, v18;
	v18 =	vadd.s32 $0x1, v14  }
0x6b: {  	[tilespmem:$0x1220] =	vst v11;
	v16 =	vperm.xlane v16, v10;
	v11 =	vadd.s32 v14, v12;
	vm1 =	vlt.s32 v18, $0x7F  }
0x6c: {  	[tilespmem:$0x11A0] =	vst v13;
	v17 =	vadd.s32 v9, v17;
	v15 =	vshll.u32 v15, $0x7;
	v13 =	vnsel vm1, $0x7F, v18  }
0x6d: {  	[tilespmem:$0x10B0] =	vst v11;
	v15 =	vadd.s32 s2, v15;
	v11 =	vadd.s32 v13, v12  }
0x6e: {  	v12 =	vadd.s32 v9, v16;
	[tilespmem:$0x1130] =	vst v11;
	v11 =	vadd.s32 v14, v15  }
0x6f: {  	[tilespmem:$0x11B0] =	vst v11;
	v11 =	vadd.s32 v13, v15  }
0x70: {  	s24 =	simm.s32 $0x0;
	s1 =	simm.s32 $0x1280;
	[tilespmem:$0x1230] =	vst v11  }
0x71: {  	[tilespmem:s1], [sflag:$0x1] =	stream.indirect_vreg.gather [hbm4b:s0+s24], $0x80, v17, vm0, $0xb8;
	[tilespmem:$0x12A80] =	vst v63  }
0x72: {  	s7 =	simm.s32 $0x1A80  }
0x73: {  	[tilespmem:s7], [sflag:$0x1] =	stream.indirect_vreg.gather [hbm4b:s0+s24], $0x80, v12, vm0, $0xb8;
	[tilespmem:$0x12A80] =	vst v63  }
0x74: {  	v11 =	vld [tilespmem:$0x1090];
	_ =	sdelay $0x4  }
0x75: {  	v12 =	vshll.u32 v11, $0x1  }
0x76: {  	v11 =	vand.u32 $0x7, v11;
	v12 =	vand.u32 $0xFFFFFFF0, v12  }
0x77: {  	v11 =	vor.u32 v11, v12  }
0x78: {  	v12 =	vperm.xlane v11, v8;
	_ =	sdelay $0x1  }
0x79: {  	v11 =	vperm.xlane v11, v10;
	v12 =	vadd.s32 v9, v12;
	_ =	sdelay $0x1  }
0x7a: {  	v11 =	vadd.s32 v9, v11;
	_ =	sdelay $0x1  }
0x7b: {  	s11 =	simm.s32 $0x2280  }
0x7c: {  	[tilespmem:s11], [sflag:$0x1] =	stream.indirect_vreg.gather [hbm4b:s0+s24], $0x80, v12, vm0, $0xb8;
	[tilespmem:$0x12A80] =	vst v63  }
0x7d: {  	s12 =	simm.s32 $0x2A80  }
0x7e: {  	[tilespmem:s12], [sflag:$0x1] =	stream.indirect_vreg.gather [hbm4b:s0+s24], $0x80, v11, vm0, $0xb8;
	[tilespmem:$0x12A80] =	vst v63  }
0x7f: {  	v11 =	vld [tilespmem:$0x10A0];
	_ =	sdelay $0x4  }
0x80: {  	v12 =	vshll.u32 v11, $0x1  }
0x81: {  	v11 =	vand.u32 $0x7, v11;
	v12 =	vand.u32 $0xFFFFFFF0, v12  }
0x82: {  	v11 =	vor.u32 v11, v12  }
0x83: {  	v12 =	vperm.xlane v11, v8;
	_ =	sdelay $0x1  }
0x84: {  	v11 =	vperm.xlane v11, v10;
	v12 =	vadd.s32 v9, v12;
	_ =	sdelay $0x1  }
0x85: {  	v11 =	vadd.s32 v9, v11;
	_ =	sdelay $0x1  }
0x86: {  	s25 =	simm.s32 $0x3280  }
0x87: {  	[tilespmem:s25], [sflag:$0x1] =	stream.indirect_vreg.gather [hbm4b:s0+s24], $0x80, v12, vm0, $0xb8;
	[tilespmem:$0x12A80] =	vst v63  }
0x88: {  	s26 =	simm.s32 $0x3A80  }
0x89: {  	[tilespmem:s26], [sflag:$0x1] =	stream.indirect_vreg.gather [hbm4b:s0+s24], $0x80, v11, vm0, $0xb8;
	[tilespmem:$0x12A80] =	vst v63  }
0x8a: {  	v11 =	vld.msk [tilespmem:$0x10B0], $0xff;
	_ =	sdelay $0x4  }
0x8b: {  	v12 =	vshll.u32 v11, $0x1  }
0x8c: {  	v11 =	vand.u32 $0x7, v11;
	v12 =	vand.u32 $0xFFFFFFF0, v12  }
0x8d: {  	v11 =	vor.u32 v11, v12  }
0x8e: {  	v11 =	vperm.xlane v11, v8;
	_ =	sdelay $0x1  }
0x8f: {  	v11 =	vadd.s32 v9, v11;
	_ =	sdelay $0x3  }
0x90: {  	s2 =	simm.s32 $0x4280  }
0x91: {  	[tilespmem:s2], [sflag:$0x1] =	stream.indirect_vreg.gather [hbm4b:s0+s24], $0x80, v11, vm0, $0xb8;
	[tilespmem:$0x12A80] =	vst v63  }
0x92: {  	v11 =	vld [tilespmem:$0x1100];
	_ =	sdelay $0x4  }
0x93: {  	v12 =	vshll.u32 v11, $0x1  }
0x94: {  	v11 =	vand.u32 $0x7, v11;
	v12 =	vand.u32 $0xFFFFFFF0, v12  }
0x95: {  	v11 =	vor.u32 v11, v12  }
0x96: {  	v12 =	vperm.xlane v11, v8;
	_ =	sdelay $0x1  }
0x97: {  	v11 =	vperm.xlane v11, v10;
	v12 =	vadd.s32 v9, v12;
	_ =	sdelay $0x1  }
0x98: {  	v11 =	vadd.s32 v9, v11;
	_ =	sdelay $0x1  }
0x99: {  	s3 =	simm.s32 $0x4A80  }
0x9a: {  	[tilespmem:s3], [sflag:$0x1] =	stream.indirect_vreg.gather [hbm4b:s0+s24], $0x80, v12, vm0, $0xb8;
	[tilespmem:$0x12A80] =	vst v63  }
0x9b: {  	s7 =	simm.s32 $0x5280  }
0x9c: {  	[tilespmem:s7], [sflag:$0x1] =	stream.indirect_vreg.gather [hbm4b:s0+s24], $0x80, v11, vm0, $0xb8;
	[tilespmem:$0x12A80] =	vst v63  }
0x9d: {  	v11 =	vld [tilespmem:$0x1110];
	_ =	sdelay $0x4  }
0x9e: {  	v12 =	vshll.u32 v11, $0x1  }
0x9f: {  	v11 =	vand.u32 $0x7, v11;
	v12 =	vand.u32 $0xFFFFFFF0, v12  }
0xa0: {  	v11 =	vor.u32 v11, v12  }
0xa1: {  	v12 =	vperm.xlane v11, v8;
	_ =	sdelay $0x1  }
0xa2: {  	v11 =	vperm.xlane v11, v10;
	v12 =	vadd.s32 v9, v12;
	_ =	sdelay $0x1  }
0xa3: {  	v11 =	vadd.s32 v9, v11;
	_ =	sdelay $0x1  }
0xa4: {  	s11 =	simm.s32 $0x5A80  }
0xa5: {  	[tilespmem:s11], [sflag:$0x1] =	stream.indirect_vreg.gather [hbm4b:s0+s24], $0x80, v12, vm0, $0xb8;
	[tilespmem:$0x12A80] =	vst v63  }
0xa6: {  	s12 =	simm.s32 $0x6280  }
0xa7: {  	[tilespmem:s12], [sflag:$0x1] =	stream.indirect_vreg.gather [hbm4b:s0+s24], $0x80, v11, vm0, $0xb8;
	[tilespmem:$0x12A80] =	vst v63  }
0xa8: {  	v11 =	vld [tilespmem:$0x1120];
	_ =	sdelay $0x4  }
0xa9: {  	v12 =	vshll.u32 v11, $0x1  }
0xaa: {  	v11 =	vand.u32 $0x7, v11;
	v12 =	vand.u32 $0xFFFFFFF0, v12  }
0xab: {  	v11 =	vor.u32 v11, v12  }
0xac: {  	v12 =	vperm.xlane v11, v8;
	_ =	sdelay $0x1  }
0xad: {  	v11 =	vperm.xlane v11, v10;
	v12 =	vadd.s32 v9, v12;
	_ =	sdelay $0x1  }
0xae: {  	v11 =	vadd.s32 v9, v11;
	_ =	sdelay $0x1  }
0xaf: {  	s25 =	simm.s32 $0x6A80  }
0xb0: {  	[tilespmem:s25], [sflag:$0x1] =	stream.indirect_vreg.gather [hbm4b:s0+s24], $0x80, v12, vm0, $0xb8;
	[tilespmem:$0x12A80] =	vst v63  }
0xb1: {  	s26 =	simm.s32 $0x7280  }
0xb2: {  	[tilespmem:s26], [sflag:$0x1] =	stream.indirect_vreg.gather [hbm4b:s0+s24], $0x80, v11, vm0, $0xb8;
	[tilespmem:$0x12A80] =	vst v63  }
0xb3: {  	v11 =	vld.msk [tilespmem:$0x1130], $0xff;
	_ =	sdelay $0x4  }
0xb4: {  	v12 =	vshll.u32 v11, $0x1  }
0xb5: {  	v11 =	vand.u32 $0x7, v11;
	v12 =	vand.u32 $0xFFFFFFF0, v12  }
0xb6: {  	v11 =	vor.u32 v11, v12  }
0xb7: {  	v11 =	vperm.xlane v11, v8;
	_ =	sdelay $0x1  }
0xb8: {  	v11 =	vadd.s32 v9, v11;
	_ =	sdelay $0x3  }
0xb9: {  	s2 =	simm.s32 $0x7A80  }
0xba: {  	[tilespmem:s2], [sflag:$0x1] =	stream.indirect_vreg.gather [hbm4b:s0+s24], $0x80, v11, vm0, $0xb8;
	[tilespmem:$0x12A80] =	vst v63  }
0xbb: {  	v11 =	vld [tilespmem:$0x1180];
	_ =	sdelay $0x4  }
0xbc: {  	v12 =	vshll.u32 v11, $0x1  }
0xbd: {  	v11 =	vand.u32 $0x7, v11;
	v12 =	vand.u32 $0xFFFFFFF0, v12  }
0xbe: {  	v11 =	vor.u32 v11, v12  }
0xbf: {  	v12 =	vperm.xlane v11, v8;
	_ =	sdelay $0x1  }
0xc0: {  	v11 =	vperm.xlane v11, v10;
	v12 =	vadd.s32 v9, v12;
	_ =	sdelay $0x1  }
0xc1: {  	v11 =	vadd.s32 v9, v11;
	_ =	sdelay $0x1  }
0xc2: {  	s3 =	simm.s32 $0x8280  }
0xc3: {  	[tilespmem:s3], [sflag:$0x1] =	stream.indirect_vreg.gather [hbm4b:s0+s24], $0x80, v12, vm0, $0xb8;
	[tilespmem:$0x12A80] =	vst v63  }
0xc4: {  	s7 =	simm.s32 $0x8A80  }
0xc5: {  	[tilespmem:s7], [sflag:$0x1] =	stream.indirect_vreg.gather [hbm4b:s0+s24], $0x80, v11, vm0, $0xb8;
	[tilespmem:$0x12A80] =	vst v63  }
0xc6: {  	v11 =	vld [tilespmem:$0x1190];
	_ =	sdelay $0x4  }
0xc7: {  	v12 =	vshll.u32 v11, $0x1  }
0xc8: {  	v11 =	vand.u32 $0x7, v11;
	v12 =	vand.u32 $0xFFFFFFF0, v12  }
0xc9: {  	v11 =	vor.u32 v11, v12  }
0xca: {  	v12 =	vperm.xlane v11, v8;
	_ =	sdelay $0x1  }
0xcb: {  	v11 =	vperm.xlane v11, v10;
	v12 =	vadd.s32 v9, v12;
	_ =	sdelay $0x1  }
0xcc: {  	v11 =	vadd.s32 v9, v11;
	_ =	sdelay $0x1  }
0xcd: {  	s11 =	simm.s32 $0x9280  }
0xce: {  	[tilespmem:s11], [sflag:$0x1] =	stream.indirect_vreg.gather [hbm4b:s0+s24], $0x80, v12, vm0, $0xb8;
	[tilespmem:$0x12A80] =	vst v63  }
0xcf: {  	s12 =	simm.s32 $0x9A80  }
0xd0: {  	[tilespmem:s12], [sflag:$0x1] =	stream.indirect_vreg.gather [hbm4b:s0+s24], $0x80, v11, vm0, $0xb8;
	[tilespmem:$0x12A80] =	vst v63  }
0xd1: {  	v11 =	vld [tilespmem:$0x11A0];
	_ =	sdelay $0x4  }
0xd2: {  	v12 =	vshll.u32 v11, $0x1  }
0xd3: {  	v11 =	vand.u32 $0x7, v11;
	v12 =	vand.u32 $0xFFFFFFF0, v12  }
0xd4: {  	v11 =	vor.u32 v11, v12  }
0xd5: {  	v12 =	vperm.xlane v11, v8;
	_ =	sdelay $0x1  }
0xd6: {  	v11 =	vperm.xlane v11, v10;
	v12 =	vadd.s32 v9, v12;
	_ =	sdelay $0x1  }
0xd7: {  	v11 =	vadd.s32 v9, v11;
	_ =	sdelay $0x1  }
0xd8: {  	s25 =	simm.s32 $0xA280  }
0xd9: {  	[tilespmem:s25], [sflag:$0x1] =	stream.indirect_vreg.gather [hbm4b:s0+s24], $0x80, v12, vm0, $0xb8;
	[tilespmem:$0x12A80] =	vst v63  }
0xda: {  	s26 =	simm.s32 $0xAA80  }
0xdb: {  	[tilespmem:s26], [sflag:$0x1] =	stream.indirect_vreg.gather [hbm4b:s0+s24], $0x80, v11, vm0, $0xb8;
	[tilespmem:$0x12A80] =	vst v63  }
0xdc: {  	v11 =	vld.msk [tilespmem:$0x11B0], $0xff;
	_ =	sdelay $0x4  }
0xdd: {  	v12 =	vshll.u32 v11, $0x1  }
0xde: {  	v11 =	vand.u32 $0x7, v11;
	v12 =	vand.u32 $0xFFFFFFF0, v12  }
0xdf: {  	v11 =	vor.u32 v11, v12  }
0xe0: {  	v11 =	vperm.xlane v11, v8;
	_ =	sdelay $0x1  }
0xe1: {  	v11 =	vadd.s32 v9, v11;
	_ =	sdelay $0x3  }
0xe2: {  	s2 =	simm.s32 $0xB280  }
0xe3: {  	[tilespmem:s2], [sflag:$0x1] =	stream.indirect_vreg.gather [hbm4b:s0+s24], $0x80, v11, vm0, $0xb8;
	[tilespmem:$0x12A80] =	vst v63  }
0xe4: {  	v11 =	vld [tilespmem:$0x1200];
	_ =	sdelay $0x4  }
0xe5: {  	v12 =	vshll.u32 v11, $0x1  }
0xe6: {  	v11 =	vand.u32 $0x7, v11;
	v12 =	vand.u32 $0xFFFFFFF0, v12  }
0xe7: {  	v11 =	vor.u32 v11, v12  }
0xe8: {  	v12 =	vperm.xlane v11, v8;
	_ =	sdelay $0x1  }
0xe9: {  	v11 =	vperm.xlane v11, v10;
	v12 =	vadd.s32 v9, v12;
	_ =	sdelay $0x1  }
0xea: {  	v11 =	vadd.s32 v9, v11;
	_ =	sdelay $0x1  }
0xeb: {  	s3 =	simm.s32 $0xBA80  }
0xec: {  	[tilespmem:s3], [sflag:$0x1] =	stream.indirect_vreg.gather [hbm4b:s0+s24], $0x80, v12, vm0, $0xb8;
	[tilespmem:$0x12A80] =	vst v63  }
0xed: {  	s7 =	simm.s32 $0xC280  }
0xee: {  	[tilespmem:s7], [sflag:$0x1] =	stream.indirect_vreg.gather [hbm4b:s0+s24], $0x80, v11, vm0, $0xb8;
	[tilespmem:$0x12A80] =	vst v63  }
0xef: {  	v11 =	vld [tilespmem:$0x1210];
	_ =	sdelay $0x4  }
0xf0: {  	v12 =	vshll.u32 v11, $0x1  }
0xf1: {  	v11 =	vand.u32 $0x7, v11;
	v12 =	vand.u32 $0xFFFFFFF0, v12  }
0xf2: {  	v11 =	vor.u32 v11, v12  }
0xf3: {  	v12 =	vperm.xlane v11, v8;
	_ =	sdelay $0x1  }
0xf4: {  	v11 =	vperm.xlane v11, v10;
	v12 =	vadd.s32 v9, v12;
	_ =	sdelay $0x1  }
0xf5: {  	v11 =	vadd.s32 v9, v11;
	_ =	sdelay $0x2  }
0xf6: {  	[tilespmem:s9], [sflag:$0x1] =	stream.indirect_vreg.gather [hbm4b:s0+s24], $0x80, v12, vm0, $0xb8;
	[tilespmem:$0x12A80] =	vst v63  }
0xf7: {  	_ = 	snop  }
0xf8: {  	[tilespmem:s14], [sflag:$0x1] =	stream.indirect_vreg.gather [hbm4b:s0+s24], $0x80, v11, vm0, $0xb8;
	[tilespmem:$0x12A80] =	vst v63  }
0xf9: {  	v11 =	vld [tilespmem:$0x1220];
	_ =	sdelay $0x4  }
0xfa: {  	v12 =	vshll.u32 v11, $0x1  }
0xfb: {  	v11 =	vand.u32 $0x7, v11;
	v12 =	vand.u32 $0xFFFFFFF0, v12  }
0xfc: {  	v11 =	vor.u32 v11, v12  }
0xfd: {  	v12 =	vperm.xlane v11, v8;
	_ =	sdelay $0x1  }
0xfe: {  	v11 =	vperm.xlane v11, v10;
	v12 =	vadd.s32 v9, v12;
	_ =	sdelay $0x1  }
0xff: {  	v11 =	vadd.s32 v9, v11;
	_ =	sdelay $0x2  }
0x100: {  	[tilespmem:s15], [sflag:$0x1] =	stream.indirect_vreg.gather [hbm4b:s0+s24], $0x80, v12, vm0, $0xb8;
	[tilespmem:$0x12A80] =	vst v63  }
0x101: {  	_ = 	snop  }
0x102: {  	[tilespmem:s16], [sflag:$0x1] =	stream.indirect_vreg.gather [hbm4b:s0+s24], $0x80, v11, vm0, $0xb8;
	[tilespmem:$0x12A80] =	vst v63  }
0x103: {  	v11 =	vld.msk [tilespmem:$0x1230], $0xff;
	_ =	sdelay $0x4  }
0x104: {  	v12 =	vshll.u32 v11, $0x1  }
0x105: {  	v11 =	vand.u32 $0x7, v11;
	v12 =	vand.u32 $0xFFFFFFF0, v12  }
0x106: {  	v11 =	vor.u32 v11, v12  }
0x107: {  	v11 =	vperm.xlane v11, v8;
	_ =	sdelay $0x1  }
0x108: {  	v11 =	vadd.s32 v9, v11  }
0x109: {  	s11 =	simm.s32 $0x0  }
0x10a: {  	s25 =	smul.u32 $0x7, s11;
	_ =	sdelay $0x1  }
0x10b: {  	s25 =	ssub.s32 $0x0, s25  }
0x10c: {  	[tilespmem:s17], [sflag:$0x1] =	stream.indirect_vreg.gather [hbm4b:s0+s24], $0x80, v11, vm0, $0xb8;
	[tilespmem:$0x12A80] =	vst v63  }
0x10d: {  	s25 =	scvt.s32.f32 s25;
	_ =	swait.ge [sflag:s13], $0x3800  }
0x10e: {  	[sflag:s13] =	ssyncset.done $0x0  }
0x10f: {  	s25 =	smul.f32 s25, s23;
	[sflag:s13] =	ssyncadd.s32 $0xFFFFC800  }
0x110: {  	_ =	swait.ge [sflag:s13], $0x3800  }
0x111: {  	s25 =	smul.f32 $2.116666600e+01, s25;
	[sflag:s13] =	ssyncset.done $0x0  }
0x112: {  	[sflag:s13] =	ssyncadd.s32 $0xFFFFC800  }
0x113: {  	s25 =	sadd.f32 s25, s22;
	_ =	swait.ge [sflag:s13], $0x3800  }
0x114: {  	s28 =	sand.u32 $0x380, s24;
	[sflag:s13] =	ssyncset.done $0x0  }
0x115: {  	s25 =	smax.f32 s25, $0.0e+00;
	s2 =	scvt.s32.f32 s11;
	[sflag:s13] =	ssyncadd.s32 $0xFFFFC800  }
0x116: {  	s26 =	sand.u32 $0x3800, s24;
	s29 =	smin.f32 s25, $1.270000000e+02;
	_ =	swait.ge [sflag:s13], $0x3800  }
0x117: {  	s12 =	scvt.f32.s32 s29;
	s2 =	smul.f32 s2, s21;
	[sflag:s13] =	ssyncset.done $0x0  }
0x118: {  	s25 =	sor.u32 s28, s26;
	[sflag:s13] =	ssyncadd.s32 $0xFFFFC800  }
0x119: {  	s26 =	scvt.s32.f32 s12;
	s2 =	smul.f32 $2.116666600e+01, s2;
	v11 =	vld [tilespmem:s25+$0x16F0]  }
0x11a: {  	v12 =	vld [tilespmem:s25+$0x4EF0]  }
0x11b: {  	p0 =	slt.f32 s29, s26;
	s2 =	sadd.f32 s2, s20;
	v13 =	vld [tilespmem:s25+$0x86F0]  }
0x11c: {  	s28 =	simm.f32 $1.000000000e+00;
	v14 =	vld [tilespmem:s25+$0xBEF0]  }
0x11d: {  	s28 =	simm.s32 @!p0 $0x0;
	s2 =	smax.f32 s2, $0.0e+00  }
0x11e: {  	s26 =	ssub.f32 s26, s28;
	s2 =	smin.f32 s2, $1.270000000e+02;
	v15 =	vld [tilespmem:s25+$0x1280]  }
0x11f: {  	s30 =	scvt.f32.s32 s2;
	v16 =	vld [tilespmem:s25+$0x4A80]  }
0x120: {  	s28 =	ssub.f32 s29, s26;
	v17 =	vld [tilespmem:s25+$0x8280];
	v12 =	vsub.f32 v12, v11  }
0x121: {  	s30 =	scvt.s32.f32 s30;
	v18 =	vld [tilespmem:s25+$0xBA80];
	v14 =	vsub.f32 v14, v13  }
0x122: {  	v19 =	vld [tilespmem:s25+$0x1290];
	v12 =	vmul.f32 s28, v12  }
0x123: {  	p0 =	slt.f32 s2, s30;
	v20 =	vld [tilespmem:s25+$0x4A90];
	v14 =	vmul.f32 s28, v14  }
0x124: {  	s26 =	simm.f32 $1.000000000e+00;
	v21 =	vld [tilespmem:s25+$0x8290];
	v11 =	vadd.f32 v12, v11  }
0x125: {  	s26 =	simm.s32 @!p0 $0x0;
	v22 =	vld [tilespmem:s25+$0xBA90];
	v12 =	vadd.f32 v14, v13;
	v14 =	vsub.f32 v16, v15  }
0x126: {  	s26 =	ssub.f32 s30, s26;
	v23 =	vld [tilespmem:s25+$0x12A0];
	v16 =	vsub.f32 v18, v17  }
0x127: {  	v24 =	vld [tilespmem:s25+$0xBAA0];
	v14 =	vmul.f32 s28, v14  }
0x128: {  	s26 =	ssub.f32 s2, s26;
	v25 =	vld [tilespmem:s25+$0x12B0];
	v12 =	vsub.f32 v12, v11;
	v16 =	vmul.f32 s28, v16  }
0x129: {  	v20 =	vsub.f32 v20, v19;
	v13 =	vld [tilespmem:s25+$0x4AA0];
	v14 =	vadd.f32 v14, v15  }
0x12a: {  	v18 =	vld [tilespmem:s25+$0x82A0];
	v12 =	vmul.f32 s26, v12;
	v15 =	vadd.f32 v16, v17;
	v17 =	vsub.f32 v22, v21  }
0x12b: {  	v20 =	vmul.f32 s28, v20;
	v16 =	vld [tilespmem:s25+$0x82B0]  }
0x12c: {  	v11 =	vadd.f32 v12, v11;
	v12 =	vld [tilespmem:s25+$0xBAB0];
	v15 =	vsub.f32 v15, v14;
	v17 =	vmul.f32 s28, v17  }
0x12d: {  	v26 =	vld [tilespmem:s25+$0x4AB0];
	v19 =	vadd.f32 v20, v19  }
0x12e: {  	v20 =	vld [tilespmem:s25+$0x82C0];
	[tilespmem:s25+$0xF6F0] =	vst v11;
	v11 =	vsub.f32 v13, v23;
	v13 =	vmul.f32 s26, v15;
	v17 =	vadd.f32 v17, v21  }
0x12f: {  	v22 =	vld [tilespmem:s25+$0x12C0];
	v21 =	vsub.f32 v24, v18  }
0x130: {  	v15 =	vld [tilespmem:s25+$0x4AC0];
	v13 =	vadd.f32 v13, v14;
	v11 =	vmul.f32 s28, v11;
	v17 =	vsub.f32 v17, v19  }
0x131: {  	v14 =	vld [tilespmem:s25+$0xBAC0];
	v21 =	vmul.f32 s28, v21;
	v12 =	vsub.f32 v12, v16  }
0x132: {  	v24 =	vld [tilespmem:s25+$0x12D0];
	[tilespmem:s25+$0xF280] =	vst v13;
	v11 =	vadd.f32 v11, v23;
	v13 =	vmul.f32 s26, v17;
	v23 =	vsub.f32 v26, v25  }
0x133: {  	v17 =	vld [tilespmem:s25+$0x4AD0];
	v18 =	vadd.f32 v21, v18;
	v12 =	vmul.f32 s28, v12  }
0x134: {  	v21 =	vld [tilespmem:s25+$0x82D0];
	v13 =	vadd.f32 v13, v19;
	v23 =	vmul.f32 s28, v23  }
0x135: {  	v26 =	vld [tilespmem:s25+$0x12E0];
	v18 =	vsub.f32 v18, v11;
	v12 =	vadd.f32 v12, v16  }
0x136: {  	v19 =	vld [tilespmem:s25+$0xBAD0];
	v14 =	vsub.f32 v14, v20;
	[tilespmem:s25+$0xF290] =	vst v13;
	v13 =	vadd.f32 v23, v25  }
0x137: {  	v15 =	vsub.f32 v15, v22;
	v16 =	vld [tilespmem:s25+$0x82E0];
	v18 =	vmul.f32 s26, v18  }
0x138: {  	v23 =	vld [tilespmem:s25+$0x4AE0];
	v14 =	vmul.f32 s28, v14;
	v12 =	vsub.f32 v12, v13  }
0x139: {  	v15 =	vmul.f32 s28, v15;
	v11 =	vadd.f32 v18, v11;
	v18 =	vld [tilespmem:s25+$0xBAE0]  }
0x13a: {  	v17 =	vsub.f32 v17, v24;
	v14 =	vadd.f32 v14, v20;
	v12 =	vmul.f32 s26, v12  }
0x13b: {  	v27 =	vld [tilespmem:s25+$0x1680];
	v19 =	vsub.f32 v19, v21;
	[tilespmem:s25+$0xF2A0] =	vst v11;
	v11 =	vadd.f32 v15, v22  }
0x13c: {  	v25 =	vld [tilespmem:s25+$0x12F0];
	v12 =	vadd.f32 v12, v13  }
0x13d: {  	v20 =	vld [tilespmem:s25+$0x82F0];
	v13 =	vmul.f32 s28, v17;
	v14 =	vsub.f32 v14, v11;
	v17 =	vmul.f32 s28, v19  }
0x13e: {  	v15 =	vld [tilespmem:s25+$0x4AF0];
	v19 =	vsub.f32 v23, v26;
	v18 =	vsub.f32 v18, v16  }
0x13f: {  	v22 =	vld [tilespmem:s25+$0xBAF0];
	[tilespmem:s25+$0xF2B0] =	vst v12;
	v12 =	vadd.f32 v13, v24;
	v13 =	vmul.f32 s26, v14;
	v17 =	vadd.f32 v17, v21  }
0x140: {  	v23 =	vld [tilespmem:s25+$0xBE80];
	v19 =	vmul.f32 s28, v19  }
0x141: {  	v21 =	vld [tilespmem:s25+$0x8680];
	v18 =	vmul.f32 s28, v18;
	v11 =	vadd.f32 v13, v11;
	v17 =	vsub.f32 v17, v12  }
0x142: {  	v14 =	vld [tilespmem:s25+$0x4E80]  }
0x143: {  	v24 =	vld [tilespmem:s25+$0x4E90];
	v19 =	vadd.f32 v19, v26;
	v16 =	vadd.f32 v18, v16;
	[tilespmem:s25+$0xF2C0] =	vst v11;
	v11 =	vmul.f32 s26, v17  }
0x144: {  	v13 =	vld [tilespmem:s25+$0x1690];
	v18 =	vsub.f32 v22, v20;
	v17 =	vsub.f32 v15, v25  }
0x145: {  	v26 =	vld [tilespmem:s25+$0xBE90];
	v16 =	vsub.f32 v16, v19;
	v12 =	vadd.f32 v11, v12  }
0x146: {  	v15 =	vld [tilespmem:s25+$0x8690];
	v22 =	vmul.f32 s28, v18;
	v23 =	vsub.f32 v23, v21;
	v17 =	vmul.f32 s28, v17  }
0x147: {  	v18 =	vld [tilespmem:s25+$0x4EA0];
	v16 =	vmul.f32 s26, v16;
	[tilespmem:s25+$0xF2D0] =	vst v12;
	v12 =	vsub.f32 v14, v27  }
0x148: {  	v11 =	vld [tilespmem:s25+$0x16A0];
	v20 =	vadd.f32 v22, v20;
	v23 =	vmul.f32 s28, v23;
	v17 =	vadd.f32 v17, v25  }
0x149: {  	v24 =	vsub.f32 v24, v13;
	v14 =	vld [tilespmem:s25+$0x86A0];
	v25 =	vadd.f32 v16, v19;
	v22 =	vmul.f32 s28, v12  }
0x14a: {  	v19 =	vld [tilespmem:s25+$0xBEA0];
	v21 =	vadd.f32 v23, v21;
	v20 =	vsub.f32 v20, v17  }
0x14b: {  	s31 =	simm.s32 $0x4926;
	v23 =	vsub.f32 v26, v15;
	v12 =	vld [tilespmem:s25+$0x16B0];
	v16 =	vadd.f32 v22, v27;
	v22 =	vmul.f32 s28, v24  }
0x14c: {  	s29 =	simm.s32 $0x0;
	s30 =	simm.s32 $0x0;
	s2 =	simm.s32 $0x0;
	[tilespmem:s25+$0xF2E0] =	vst v25;
	v24 =	vmul.f32 s26, v20;
	v20 =	vld [tilespmem:s25+$0x4EB0]  }
.LBB2_4:
0x14d: {  	p0 =	sne.s32 s31, $0x6DB90;
	s3 =	smul.u32 $0x7, s2;
	v13 =	vadd.f32 v22, v13;
	v22 =	vmul.f32 s28, v23;
	v18 =	vsub.f32 v18, v11;
	v23 =	vld [tilespmem:s25+$0x86B0]  }
0x14e: {  	v21 =	vsub.f32 v21, v16;
	s24 =	sadd.s32 $0x1, s24;
	v17 =	vadd.f32 v24, v17;
	v24 =	vld [tilespmem:s25+$0xBEB0]  }
0x14f: {  	s3 =	ssub.s32 s24, s3;
	v15 =	vadd.f32 v22, v15;
	v18 =	vmul.f32 s28, v18;
	v19 =	vsub.f32 v19, v14;
	v22 =	vld [tilespmem:s25+$0x16C0]  }
0x150: {  	s3 =	scvt.s32.f32 s3;
	[tilespmem:s25+$0xF2F0] =	vst v17;
	v17 =	vmul.f32 s26, v21;
	v21 =	vld [tilespmem:s25+$0x4EC0]  }
0x151: {  	v11 =	vadd.f32 v18, v11;
	v18 =	vmul.f32 s28, v19;
	v19 =	vsub.f32 v20, v12;
	v20 =	vld [tilespmem:s25+$0x86C0]  }
0x152: {  	v15 =	vsub.f32 v15, v13;
	s3 =	smul.f32 s3, s23;
	v16 =	vadd.f32 v17, v16;
	v17 =	vld [tilespmem:s25+$0xBEC0]  }
0x153: {  	v14 =	vadd.f32 v18, v14;
	v18 =	vmul.f32 s28, v19;
	v19 =	vsub.f32 v24, v23;
	v24 =	vld [tilespmem:s25+$0x16D0]  }
0x154: {  	v15 =	vmul.f32 s26, v15;
	s3 =	smul.f32 $2.116666600e+01, s3;
	[tilespmem:s25+$0xF680] =	vst v16;
	v16 =	vld [tilespmem:s25+$0x4ED0]  }
0x155: {  	v12 =	vadd.f32 v18, v12;
	v18 =	vmul.f32 s28, v19;
	v19 =	vsub.f32 v21, v22;
	v21 =	vld [tilespmem:s25+$0x86D0]  }
0x156: {  	s2 =	scvt.s32.f32 s2;
	v13 =	vadd.f32 v15, v13;
	v14 =	vsub.f32 v14, v11;
	s3 =	sadd.f32 s3, s22;
	v15 =	vld [tilespmem:s25+$0xBED0]  }
0x157: {  	s30 =	sadd.s32 $0x80, s30;
	v18 =	vadd.f32 v18, v23;
	v19 =	vmul.f32 s28, v19;
	v17 =	vsub.f32 v17, v20;
	v23 =	vld [tilespmem:s25+$0x16E0]  }
0x158: {  	s29 =	sadd.s32 $0x100, s29;
	s2 =	smul.f32 s2, s21;
	s3 =	smax.f32 s3, $0.0e+00;
	[tilespmem:s25+$0xF690] =	vst v13;
	v13 =	vmul.f32 s26, v14;
	v14 =	vld [tilespmem:s25+$0x4EE0]  }
0x159: {  	s1 =	sand.u32 $0x3800, s29;
	s11 =	sand.u32 $0x380, s30;
	s3 =	smin.f32 s3, $1.270000000e+02;
	v19 =	vadd.f32 v19, v22;
	v17 =	vmul.f32 s28, v17;
	v16 =	vsub.f32 v16, v24;
	v22 =	vld [tilespmem:s25+$0x86E0]  }
0x15a: {  	s12 =	smul.f32 $2.116666600e+01, s2;
	s2 =	sor.u32 s11, s1;
	s7 =	scvt.f32.s32 s3;
	v11 =	vadd.f32 v13, v11;
	v13 =	vsub.f32 v18, v12;
	v18 =	vld [tilespmem:s25+$0xBEE0]  }
0x15b: {  	v25 =	vld [tilespmem:s2+$0x16F0];
	v17 =	vadd.f32 v17, v20;
	v16 =	vmul.f32 s28, v16;
	v15 =	vsub.f32 v15, v21  }
0x15c: {  	s1 =	sadd.f32 s12, s20;
	s7 =	scvt.s32.f32 s7;
	v20 =	vld [tilespmem:s2+$0x4EF0];
	[tilespmem:s25+$0xF6A0] =	vst v11;
	v11 =	vmul.f32 s26, v13  }
0x15d: {  	v13 =	vld [tilespmem:s2+$0x86F0];
	v16 =	vadd.f32 v16, v24;
	v15 =	vmul.f32 s28, v15;
	v14 =	vsub.f32 v14, v23  }
0x15e: {  	s1 =	smax.f32 s1, $0.0e+00;
	p1 =	slt.f32 s3, s7;
	v24 =	vld [tilespmem:s2+$0xBEF0];
	v11 =	vadd.f32 v11, v12;
	v12 =	vsub.f32 v17, v19  }
0x15f: {  	s12 =	simm.f32 $1.000000000e+00;
	s1 =	smin.f32 s1, $1.270000000e+02;
	v17 =	vld [tilespmem:s2+$0x1280];
	v15 =	vadd.f32 v15, v21;
	v14 =	vmul.f32 s28, v14;
	v18 =	vsub.f32 v18, v22  }
0x160: {  	s11 =	scvt.f32.s32 s1;
	s12 =	simm.s32 @!p1 $0x0;
	v21 =	vld [tilespmem:s2+$0x4A80];
	[tilespmem:s25+$0xF6B0] =	vst v11;
	v11 =	vmul.f32 s26, v12  }
0x161: {  	s7 =	ssub.f32 s7, s12;
	v12 =	vld [tilespmem:s2+$0x8280];
	v15 =	vsub.f32 v15, v16;
	v14 =	vadd.f32 v14, v23;
	v18 =	vmul.f32 s28, v18  }
0x162: {  	s11 =	scvt.s32.f32 s11;
	v23 =	vld [tilespmem:s2+$0xBA80];
	v11 =	vadd.f32 v11, v19  }
0x163: {  	v20 =	vsub.f32 v20, v25;
	s28 =	ssub.f32 s3, s7;
	v19 =	vld [tilespmem:s2+$0x1290];
	v24 =	vsub.f32 v24, v13;
	v15 =	vmul.f32 s26, v15  }
0x164: {  	p1 =	slt.f32 s1, s11;
	v26 =	vld [tilespmem:s2+$0x4A90];
	[tilespmem:s25+$0xF6C0] =	vst v11;
	v11 =	vadd.f32 v18, v22  }
0x165: {  	s3 =	simm.f32 $1.000000000e+00;
	v18 =	vsub.f32 v21, v17;
	v21 =	vld [tilespmem:s2+$0x8290];
	v20 =	vmul.f32 s28, v20;
	v22 =	vmul.f32 s28, v24  }
0x166: {  	s3 =	simm.s32 @!p1 $0x0;
	v15 =	vadd.f32 v15, v16;
	v24 =	vld [tilespmem:s2+$0xBA90];
	v11 =	vsub.f32 v11, v14  }
0x167: {  	s3 =	ssub.f32 s11, s3;
	v16 =	vmul.f32 s28, v18;
	v18 =	vld [tilespmem:s2+$0x12A0];
	v20 =	vadd.f32 v20, v25;
	v13 =	vadd.f32 v22, v13  }
0x168: {  	v22 =	vsub.f32 v23, v12;
	v23 =	vld [tilespmem:s2+$0x4AA0];
	[tilespmem:s25+$0xF6D0] =	vst v15;
	v11 =	vmul.f32 s26, v11  }
0x169: {  	s26 =	ssub.f32 s1, s3;
	v15 =	vsub.f32 v26, v19;
	v25 =	vld [tilespmem:s2+$0x82A0];
	v13 =	vsub.f32 v13, v20  }
0x16a: {  	v16 =	vadd.f32 v16, v17;
	v17 =	vmul.f32 s28, v22;
	v22 =	vld [tilespmem:s2+$0xBAA0];
	v11 =	vadd.f32 v11, v14  }
0x16b: {  	v14 =	vmul.f32 s28, v15;
	v15 =	vsub.f32 v24, v21;
	v24 =	vld [tilespmem:s2+$0x12B0];
	v13 =	vmul.f32 s26, v13  }
0x16c: {  	v12 =	vadd.f32 v17, v12;
	v17 =	vld [tilespmem:s2+$0x4AB0];
	[tilespmem:s25+$0xF6E0] =	vst v11;
	s25 =	smov.u32 s2  }
0x16d: {  	v11 =	vmul.f32 s28, v15;
	v15 =	vsub.f32 v23, v18;
	v23 =	vld [tilespmem:s25+$0x82B0];
	v13 =	vadd.f32 v13, v20  }
0x16e: {  	v12 =	vsub.f32 v12, v16;
	v14 =	vadd.f32 v14, v19;
	v19 =	vld [tilespmem:s25+$0xBAB0]  }
0x16f: {  	v11 =	vadd.f32 v11, v21;
	v15 =	vmul.f32 s28, v15;
	v20 =	vsub.f32 v22, v25;
	v21 =	vld [tilespmem:s25+$0x12C0];
	[tilespmem:s25+$0xF6F0] =	vst v13  }
0x170: {  	v12 =	vmul.f32 s26, v12;
	v13 =	vld [tilespmem:s25+$0x4AC0]  }
0x171: {  	v15 =	vadd.f32 v15, v18;
	v18 =	vmul.f32 s28, v20;
	v17 =	vsub.f32 v17, v24;
	v20 =	vld [tilespmem:s25+$0x82C0]  }
0x172: {  	v12 =	vadd.f32 v12, v16;
	v11 =	vsub.f32 v11, v14;
	v16 =	vld [tilespmem:s25+$0xBAC0]  }
0x173: {  	v18 =	vadd.f32 v18, v25;
	v17 =	vmul.f32 s28, v17;
	v19 =	vsub.f32 v19, v23;
	v22 =	vld [tilespmem:s25+$0x12D0]  }
0x174: {  	v11 =	vmul.f32 s26, v11;
	[tilespmem:s25+$0xF280] =	vst v12;
	v12 =	vld [tilespmem:s25+$0x4AD0]  }
0x175: {  	v17 =	vadd.f32 v17, v24;
	v19 =	vmul.f32 s28, v19;
	v13 =	vsub.f32 v13, v21;
	v24 =	vld [tilespmem:s25+$0x82D0]  }
0x176: {  	v11 =	vadd.f32 v11, v14;
	v14 =	vsub.f32 v18, v15;
	v18 =	vld [tilespmem:s25+$0xBAD0]  }
0x177: {  	v19 =	vadd.f32 v19, v23;
	v13 =	vmul.f32 s28, v13;
	v16 =	vsub.f32 v16, v20;
	v23 =	vld [tilespmem:s25+$0x12E0]  }
0x178: {  	[tilespmem:s25+$0xF290] =	vst v11;
	v11 =	vmul.f32 s26, v14;
	v14 =	vld [tilespmem:s25+$0x4AE0]  }
0x179: {  	v13 =	vadd.f32 v13, v21;
	v16 =	vmul.f32 s28, v16;
	v12 =	vsub.f32 v12, v22;
	v21 =	vld [tilespmem:s25+$0x82E0]  }
0x17a: {  	v11 =	vadd.f32 v11, v15;
	v15 =	vsub.f32 v19, v17;
	v19 =	vld [tilespmem:s25+$0xBAE0]  }
0x17b: {  	v16 =	vadd.f32 v16, v20;
	v12 =	vmul.f32 s28, v12;
	v18 =	vsub.f32 v18, v24;
	v20 =	vld [tilespmem:s25+$0x12F0]  }
0x17c: {  	[tilespmem:s25+$0xF2A0] =	vst v11;
	v11 =	vmul.f32 s26, v15;
	v15 =	vld [tilespmem:s25+$0x4AF0]  }
0x17d: {  	v12 =	vadd.f32 v12, v22;
	v18 =	vmul.f32 s28, v18;
	v14 =	vsub.f32 v14, v23;
	v22 =	vld [tilespmem:s25+$0x82F0]  }
0x17e: {  	v16 =	vsub.f32 v16, v13;
	v11 =	vadd.f32 v11, v17;
	v17 =	vld [tilespmem:s25+$0xBAF0]  }
0x17f: {  	v18 =	vadd.f32 v18, v24;
	v14 =	vmul.f32 s28, v14;
	v19 =	vsub.f32 v19, v21;
	v24 =	vld [tilespmem:s25+$0x1680]  }
0x180: {  	[tilespmem:s25+$0xF2B0] =	vst v11;
	v11 =	vmul.f32 s26, v16;
	v16 =	vld [tilespmem:s25+$0x4E80]  }
0x181: {  	v23 =	vadd.f32 v14, v23;
	v14 =	vmul.f32 s28, v19;
	v15 =	vsub.f32 v15, v20;
	v25 =	vld [tilespmem:s25+$0x8680]  }
0x182: {  	v18 =	vsub.f32 v18, v12;
	v11 =	vadd.f32 v11, v13;
	v19 =	vld [tilespmem:s25+$0xBE80]  }
0x183: {  	v14 =	vadd.f32 v14, v21;
	v15 =	vmul.f32 s28, v15;
	v21 =	vsub.f32 v17, v22;
	v13 =	vld [tilespmem:s25+$0x1690]  }
0x184: {  	[tilespmem:s25+$0xF2C0] =	vst v11;
	v11 =	vmul.f32 s26, v18;
	v26 =	vld [tilespmem:s25+$0x4E90]  }
0x185: {  	v17 =	vadd.f32 v15, v20;
	v18 =	vmul.f32 s28, v21;
	v16 =	vsub.f32 v16, v24;
	v15 =	vld [tilespmem:s25+$0x8690]  }
0x186: {  	v14 =	vsub.f32 v14, v23;
	v12 =	vadd.f32 v11, v12;
	v20 =	vld [tilespmem:s25+$0xBE90]  }
0x187: {  	v21 =	vadd.f32 v18, v22;
	v16 =	vmul.f32 s28, v16;
	v19 =	vsub.f32 v19, v25;
	v11 =	vld [tilespmem:s25+$0x16A0]  }
.Ltmp5:
0x188: {  	[tilespmem:s25+$0xF2D0] =	vst v12;
	v12 =	vmul.f32 s26, v14;
	v18 =	vld [tilespmem:s25+$0x4EA0];
	(pc) =	sbr.rel @p0 .LBB2_4-.Ltmp5, $4  }
0x189: {  	v16 =	vadd.f32 v16, v24;
	v22 =	vmul.f32 s28, v19;
	v24 =	vsub.f32 v26, v13;
	v14 =	vld [tilespmem:s25+$0x86A0]  }
0x18a: {  	v27 =	vsub.f32 v21, v17;
	v26 =	vadd.f32 v12, v23;
	v19 =	vld [tilespmem:s25+$0xBEA0]  }
0x18b: {  	v21 =	vadd.f32 v22, v25;
	v22 =	vmul.f32 s28, v24;
	v23 =	vsub.f32 v20, v15;
	v12 =	vld [tilespmem:s25+$0x16B0]  }
0x18c: {  	s2 =	sshrl.u32 s31, $0x10;
	s31 =	sadd.s32 $0x2493, s31;
	v24 =	vmul.f32 s26, v27;
	[tilespmem:s25+$0xF2E0] =	vst v26;
	v20 =	vld [tilespmem:s25+$0x4EB0]  }
0x18d: {  	v25 =	vld [tilespmem:s25+$0x86B0]  }
0x18e: {  	v60 =	vld [tilespmem:s25+$0xBEB0];
	v23 =	vmul.f32 s28, v23  }
0x18f: {  	v26 =	vld [tilespmem:s25+$0x16C0];
	v13 =	vadd.f32 v22, v13;
	v18 =	vsub.f32 v18, v11  }
0x190: {  	v62 =	vld [tilespmem:s25+$0x4EC0];
	v15 =	vadd.f32 v23, v15;
	v19 =	vsub.f32 v19, v14  }
0x191: {  	v21 =	vsub.f32 v21, v16;
	v63 =	vld [tilespmem:s25+$0x86C0];
	v18 =	vmul.f32 s28, v18  }
0x192: {  	v31 =	vld [tilespmem:s25+$0xBEC0];
	v15 =	vsub.f32 v15, v13;
	v33 =	vmul.f32 s28, v19  }
0x193: {  	v32 =	vld [tilespmem:s25+$0x16D0];
	v61 =	vmul.f32 s26, v21;
	v11 =	vadd.f32 v18, v11;
	v35 =	vsub.f32 v20, v12  }
0x194: {  	v34 =	vld [tilespmem:s25+$0x4ED0];
	v39 =	vsub.f32 v60, v25;
	v15 =	vmul.f32 s26, v15;
	v37 =	vadd.f32 v33, v14  }
0x195: {  	v36 =	vld [tilespmem:s25+$0x86D0];
	v17 =	vadd.f32 v24, v17;
	v30 =	vadd.f32 v61, v16;
	v18 =	vmul.f32 s28, v35  }
0x196: {  	v38 =	vld [tilespmem:s25+$0xBED0];
	v41 =	vmul.f32 s28, v39;
	v13 =	vadd.f32 v15, v13;
	v14 =	vsub.f32 v37, v11  }
0x197: {  	v40 =	vld [tilespmem:s25+$0x16E0];
	[tilespmem:s25+$0xF2F0] =	vst v17;
	v21 =	vsub.f32 v62, v26;
	v17 =	vsub.f32 v31, v63  }
0x198: {  	s1 =	sadd.s32 $0x80, s30;
	v42 =	vld [tilespmem:s25+$0x4EE0];
	s3 =	sadd.s32 $0x100, s29;
	v43 =	vadd.f32 v18, v12;
	[tilespmem:s25+$0xF690] =	vst v13;
	v14 =	vmul.f32 s26, v14;
	v13 =	vadd.f32 v41, v25  }
0x199: {  	v44 =	vld [tilespmem:s25+$0x86E0];
	s3 =	sand.u32 $0x3800, s3;
	s1 =	sand.u32 $0x380, s1;
	v21 =	vmul.f32 s28, v21  }
0x19a: {  	v45 =	vld [tilespmem:s25+$0xBEE0];
	s29 =	sor.u32 s1, s3;
	[tilespmem:s25+$0xF680] =	vst v30;
	v17 =	vmul.f32 s28, v17;
	v11 =	vadd.f32 v14, v11;
	v13 =	vsub.f32 v13, v43  }
0x19b: {  	s11 =	smul.u32 $0x7, s2;
	v19 =	vsub.f32 v34, v32;
	v15 =	vsub.f32 v38, v36;
	v46 =	vld [tilespmem:s29+$0x16F0]  }
0x19c: {  	s12 =	sadd.s32 $0x1, s24;
	v17 =	vadd.f32 v17, v63;
	v27 =	vld [tilespmem:s29+$0x4EF0];
	[tilespmem:s25+$0xF6A0] =	vst v11;
	v11 =	vadd.f32 v21, v26;
	v13 =	vmul.f32 s26, v13  }
0x19d: {  	s1 =	ssub.s32 s12, s11;
	v19 =	vmul.f32 s28, v19;
	v47 =	vld [tilespmem:s29+$0x86F0]  }
0x19e: {  	s1 =	scvt.s32.f32 s1;
	v15 =	vmul.f32 s28, v15;
	v48 =	vld [tilespmem:s29+$0xBEF0];
	v12 =	vadd.f32 v13, v43;
	v17 =	vsub.f32 v17, v11  }
0x19f: {  	v16 =	vsub.f32 v42, v40;
	v54 =	vsub.f32 v45, v44;
	v49 =	vld [tilespmem:s29+$0x1280]  }
0x1a0: {  	s1 =	smul.f32 s1, s23;
	v51 =	vadd.f32 v19, v32;
	v15 =	vadd.f32 v15, v36;
	v50 =	vld [tilespmem:s29+$0x4A80];
	[tilespmem:s25+$0xF6B0] =	vst v12;
	v17 =	vmul.f32 s26, v17  }
0x1a1: {  	v16 =	vmul.f32 s28, v16;
	v52 =	vld [tilespmem:s29+$0x8280]  }
0x1a2: {  	s1 =	smul.f32 $2.116666600e+01, s1;
	v23 =	vmul.f32 s28, v54;
	v15 =	vsub.f32 v15, v51;
	v53 =	vld [tilespmem:s29+$0xBA80];
	v11 =	vadd.f32 v17, v11  }
0x1a3: {  	v55 =	vld [tilespmem:s29+$0x1290]  }
0x1a4: {  	s1 =	sadd.f32 s1, s22;
	v16 =	vadd.f32 v16, v40;
	v18 =	vadd.f32 v23, v44;
	v56 =	vld [tilespmem:s29+$0x4A90];
	[tilespmem:s25+$0xF6C0] =	vst v11;
	v11 =	vmul.f32 s26, v15  }
0x1a5: {  	v57 =	vld [tilespmem:s29+$0x8290]  }
0x1a6: {  	s1 =	smax.f32 s1, $0.0e+00;
	v18 =	vsub.f32 v18, v16;
	v58 =	vld [tilespmem:s29+$0xBA90];
	v11 =	vadd.f32 v11, v51  }
0x1a7: {  	s1 =	smin.f32 s1, $1.270000000e+02;
	v59 =	vld [tilespmem:s29+$0x12A0]  }
0x1a8: {  	s24 =	scvt.f32.s32 s1;
	v60 =	vld [tilespmem:s29+$0x4AA0];
	[tilespmem:s25+$0xF6D0] =	vst v11;
	v11 =	vmul.f32 s26, v18  }
0x1a9: {  	v61 =	vld [tilespmem:s29+$0x82A0]  }
0x1aa: {  	s3 =	scvt.s32.f32 s24;
	v28 =	vld [tilespmem:s29+$0xBAA0];
	v11 =	vadd.f32 v11, v16  }
0x1ab: {  	v62 =	vld [tilespmem:s29+$0x12B0]  }
0x1ac: {  	p0 =	slt.f32 s1, s3;
	v29 =	vld [tilespmem:s29+$0x4AB0];
	[tilespmem:s25+$0xF6E0] =	vst v11  }
0x1ad: {  	s7 =	simm.f32 $1.000000000e+00;
	s23 =	scvt.s32.f32 s2;
	v11 =	vld [tilespmem:s29+$0x82B0]  }
0x1ae: {  	s7 =	simm.s32 @!p0 $0x0;
	v30 =	vld [tilespmem:s29+$0xBAB0]  }
0x1af: {  	s2 =	smul.f32 s23, s21;
	s3 =	ssub.f32 s3, s7;
	v31 =	vld [tilespmem:s29+$0x12C0]  }
0x1b0: {  	v32 =	vld [tilespmem:s29+$0x4AC0]  }
0x1b1: {  	s2 =	smul.f32 $2.116666600e+01, s2;
	v22 =	vsub.f32 v48, v47;
	s28 =	ssub.f32 s1, s3;
	v33 =	vld [tilespmem:s29+$0x82C0]  }
0x1b2: {  	v34 =	vld [tilespmem:s29+$0xBAC0]  }
0x1b3: {  	s2 =	sadd.f32 s2, s20;
	v22 =	vmul.f32 s28, v22;
	v35 =	vld [tilespmem:s29+$0x12D0]  }
0x1b4: {  	v36 =	vld [tilespmem:s29+$0x4AD0]  }
0x1b5: {  	s2 =	smax.f32 s2, $0.0e+00;
	v21 =	vadd.f32 v22, v47;
	v22 =	vld [tilespmem:s29+$0x82D0]  }
0x1b6: {  	s2 =	smin.f32 s2, $1.270000000e+02;
	v27 =	vsub.f32 v27, v46;
	v63 =	vld [tilespmem:s29+$0xBAD0]  }
0x1b7: {  	s11 =	scvt.f32.s32 s2;
	v26 =	vsub.f32 v50, v49;
	v37 =	vld [tilespmem:s29+$0x12E0]  }
0x1b8: {  	v27 =	vmul.f32 s28, v27;
	v20 =	vsub.f32 v53, v52;
	v40 =	vld [tilespmem:s29+$0x4AE0]  }
0x1b9: {  	v26 =	vmul.f32 s28, v26;
	v25 =	vsub.f32 v56, v55;
	s26 =	scvt.s32.f32 s11;
	v41 =	vld [tilespmem:s29+$0x82E0]  }
0x1ba: {  	v14 =	vadd.f32 v27, v46;
	v20 =	vmul.f32 s28, v20;
	v23 =	vsub.f32 v58, v57;
	v42 =	vld [tilespmem:s29+$0xBAE0]  }
0x1bb: {  	v13 =	vadd.f32 v26, v49;
	v25 =	vmul.f32 s28, v25;
	p0 =	slt.f32 s2, s26;
	v24 =	vsub.f32 v60, v59;
	v46 =	vld [tilespmem:s29+$0x4AF0]  }
0x1bc: {  	s1 =	simm.f32 $1.000000000e+00;
	v21 =	vsub.f32 v21, v14;
	v19 =	vadd.f32 v20, v52;
	v23 =	vmul.f32 s28, v23;
	v38 =	vld [tilespmem:s29+$0x82F0]  }
0x1bd: {  	v17 =	vadd.f32 v25, v55;
	s1 =	simm.s32 @!p0 $0x0;
	v44 =	vmul.f32 s28, v24;
	v49 =	vld [tilespmem:s29+$0xBAF0];
	v43 =	vsub.f32 v28, v61  }
0x1be: {  	s1 =	ssub.f32 s26, s1;
	v52 =	vld [tilespmem:s29+$0x4E80];
	v15 =	vadd.f32 v23, v57;
	v45 =	vsub.f32 v29, v62  }
0x1bf: {  	v19 =	vsub.f32 v19, v13;
	v56 =	vld [tilespmem:s29+$0xBE80];
	v12 =	vadd.f32 v44, v59;
	v23 =	vmul.f32 s28, v43  }
0x1c0: {  	v58 =	vld [tilespmem:s29+$0x4E90];
	s30 =	ssub.f32 s2, s1;
	v15 =	vsub.f32 v15, v17;
	v47 =	vmul.f32 s28, v45;
	v48 =	vsub.f32 v30, v11  }
0x1c1: {  	v28 =	vld [tilespmem:s29+$0x12F0];
	v18 =	vadd.f32 v23, v61;
	v50 =	vsub.f32 v32, v31  }
0x1c2: {  	v60 =	vld [tilespmem:s29+$0x8690];
	v21 =	vmul.f32 s30, v21;
	v16 =	vadd.f32 v47, v62;
	v55 =	vsub.f32 v34, v33  }
0x1c3: {  	v44 =	vld [tilespmem:s29+$0x86A0];
	v19 =	vmul.f32 s30, v19;
	v57 =	vsub.f32 v36, v35;
	v27 =	vsub.f32 v63, v22  }
0x1c4: {  	v45 =	vld [tilespmem:s29+$0xBEA0];
	v20 =	vsub.f32 v40, v37;
	v25 =	vsub.f32 v42, v41  }
0x1c5: {  	v15 =	vmul.f32 s30, v15;
	v32 =	vld [tilespmem:s29+$0x1680];
	v14 =	vadd.f32 v21, v14;
	v13 =	vadd.f32 v19, v13  }
0x1c6: {  	v23 =	vld [tilespmem:s29+$0x8680];
	v29 =	vsub.f32 v46, v28;
	v46 =	vsub.f32 v49, v38;
	v51 =	vmul.f32 s28, v48  }
0x1c7: {  	v34 =	vld [tilespmem:s29+$0x1690];
	v15 =	vadd.f32 v15, v17;
	v54 =	vmul.f32 s28, v50;
	v19 =	vmul.f32 s28, v55  }
0x1c8: {  	v61 =	vld [tilespmem:s29+$0xBE90];
	v53 =	vsub.f32 v18, v12;
	v27 =	vmul.f32 s28, v27;
	v20 =	vmul.f32 s28, v20  }
0x1c9: {  	v62 =	vld [tilespmem:s29+$0x16A0];
	v43 =	vmul.f32 s28, v25;
	v11 =	vadd.f32 v51, v11;
	v18 =	vadd.f32 v54, v31  }
0x1ca: {  	v63 =	vld [tilespmem:s29+$0x4EA0];
	v19 =	vadd.f32 v19, v33;
	v22 =	vadd.f32 v27, v22  }
0x1cb: {  	v30 =	vld [tilespmem:s29+$0x16B0];
	v26 =	vmul.f32 s28, v46;
	v42 =	vadd.f32 v20, v37;
	v20 =	vadd.f32 v43, v41  }
0x1cc: {  	v40 =	vld [tilespmem:s29+$0x4ED0];
	v37 =	vsub.f32 v45, v44;
	v21 =	vsub.f32 v52, v32  }
0x1cd: {  	v59 =	vmul.f32 s28, v57;
	v48 =	vld [tilespmem:s29+$0x4EB0];
	v24 =	vsub.f32 v56, v23;
	v50 =	vadd.f32 v26, v38  }
0x1ce: {  	v57 =	vld [tilespmem:s29+$0x16D0];
	v17 =	vmul.f32 s30, v53;
	v51 =	vsub.f32 v58, v34;
	v55 =	vsub.f32 v61, v60  }
0x1cf: {  	v39 =	vld [tilespmem:s29+$0x86B0];
	v27 =	vsub.f32 v63, v62;
	v11 =	vsub.f32 v11, v16  }
0x1d0: {  	v49 =	vld [tilespmem:s29+$0xBEB0];
	v47 =	vmul.f32 s28, v29;
	v12 =	vadd.f32 v17, v12;
	v17 =	vadd.f32 v59, v35  }
0x1d1: {  	v54 =	vld [tilespmem:s29+$0x86C0];
	v19 =	vsub.f32 v19, v18;
	v20 =	vsub.f32 v20, v42;
	v21 =	vmul.f32 s28, v21  }
0x1d2: {  	v56 =	vld [tilespmem:s29+$0xBEC0];
	v24 =	vmul.f32 s28, v24;
	v58 =	vmul.f32 s28, v27;
	v29 =	vsub.f32 v48, v30  }
0x1d3: {  	v61 =	vld [tilespmem:s29+$0xBED0];
	v46 =	vsub.f32 v40, v57;
	v11 =	vmul.f32 s30, v11;
	v19 =	vmul.f32 s30, v19  }
0x1d4: {  	v63 =	vld [tilespmem:s29+$0x4EE0];
	v22 =	vsub.f32 v22, v17;
	v20 =	vmul.f32 s30, v20;
	v21 =	vadd.f32 v21, v32  }
0x1d5: {  	v59 =	vld [tilespmem:s29+$0x86D0];
	v23 =	vadd.f32 v24, v23;
	v32 =	vmul.f32 s28, v51;
	v11 =	vadd.f32 v11, v16  }
0x1d6: {  	v35 =	vld [tilespmem:s29+$0x16E0];
	v24 =	vmul.f32 s28, v55;
	v18 =	vadd.f32 v19, v18;
	v19 =	vadd.f32 v47, v28  }
0x1d7: {  	v29 =	vmul.f32 s28, v29;
	v16 =	vadd.f32 v20, v42;
	v28 =	vsub.f32 v49, v39  }
0x1d8: {  	v45 =	vld [tilespmem:s29+$0x86E0];
	v22 =	vmul.f32 s30, v22;
	v33 =	vsub.f32 v56, v54;
	v23 =	vsub.f32 v23, v21  }
0x1d9: {  	v47 =	vld [tilespmem:s29+$0xBEE0];
	v32 =	vadd.f32 v32, v34;
	v24 =	vadd.f32 v24, v60;
	v60 =	vmul.f32 s28, v37  }
0x1da: {  	v26 =	vld [tilespmem:s29+$0x16C0];
	v29 =	vadd.f32 v29, v30;
	v51 =	vsub.f32 v61, v59;
	v49 =	vmul.f32 s28, v33  }
0x1db: {  	v52 =	vld [tilespmem:s29+$0x4EC0];
	v55 =	vsub.f32 v63, v35;
	v53 =	vsub.f32 v50, v19;
	v50 =	vmul.f32 s28, v46  }
0x1dc: {  	[tilespmem:s29+$0xF6F0] =	vst v14;
	v17 =	vadd.f32 v22, v17;
	v23 =	vmul.f32 s30, v23;
	v14 =	vadd.f32 v49, v54  }
0x1dd: {  	v20 =	vmul.f32 s30, v53;
	v53 =	vadd.f32 v50, v57;
	v57 =	vsub.f32 v24, v32  }
0x1de: {  	[tilespmem:s29+$0xF280] =	vst v13;
	v28 =	vmul.f32 s28, v28;
	v21 =	vadd.f32 v23, v21;
	v56 =	vsub.f32 v47, v45  }
0x1df: {  	[tilespmem:s29+$0xF290] =	vst v15;
	v54 =	vmul.f32 s28, v51;
	v19 =	vadd.f32 v20, v19;
	v20 =	vadd.f32 v58, v62  }
0x1e0: {  	[tilespmem:s29+$0xF2A0] =	vst v12;
	v12 =	vmul.f32 s28, v55;
	v62 =	vadd.f32 v60, v44;
	v44 =	vsub.f32 v52, v26  }
0x1e1: {  	[tilespmem:s29+$0xF2B0] =	vst v11;
	v52 =	vadd.f32 v28, v39;
	v11 =	vadd.f32 v54, v59;
	v59 =	vmul.f32 s28, v56  }
0x1e2: {  	[tilespmem:s29+$0xF2C0] =	vst v18;
	v12 =	vadd.f32 v12, v35;
	v48 =	vmul.f32 s28, v44;
	v58 =	vsub.f32 v62, v20  }
0x1e3: {  	[tilespmem:s29+$0xF2E0] =	vst v16;
	v60 =	vmul.f32 s30, v57;
	v13 =	vsub.f32 v52, v29;
	v62 =	vadd.f32 v59, v45  }
0x1e4: {  	[tilespmem:s29+$0xF2D0] =	vst v17;
	v11 =	vsub.f32 v11, v53;
	v26 =	vadd.f32 v48, v26;
	v61 =	vmul.f32 s30, v58  }
0x1e5: {  	[tilespmem:s29+$0xF680] =	vst v21;
	v17 =	vadd.f32 v60, v32;
	v13 =	vmul.f32 s30, v13;
	v18 =	vsub.f32 v62, v12  }
0x1e6: {  	[tilespmem:s29+$0xF2F0] =	vst v19;
	v11 =	vmul.f32 s30, v11;
	v14 =	vsub.f32 v14, v26;
	v16 =	vadd.f32 v61, v20  }
0x1e7: {  	[tilespmem:s29+$0xF690] =	vst v17;
	v13 =	vadd.f32 v13, v29;
	v63 =	vmul.f32 s30, v18  }
0x1e8: {  	v11 =	vadd.f32 v11, v53;
	v14 =	vmul.f32 s30, v14;
	[tilespmem:s29+$0xF6A0] =	vst v16  }
0x1e9: {  	s31 =	sadd.s32 s5, s19;
	[tilespmem:s29+$0xF6B0] =	vst v13;
	v12 =	vadd.f32 v63, v12  }
0x1ea: {  	s1 =	smul.u32 $0x700, s31;
	[tilespmem:s29+$0xF6D0] =	vst v11;
	v14 =	vadd.f32 v14, v26  }
0x1eb: {  	[tilespmem:s29+$0xF6E0] =	vst v12  }
.Ltmp6:
0x1ec: {  	s1 =	sadd.s32 s6, s1;
	[tilespmem:s29+$0xF6C0] =	vst v14;
	(pc) =	sbr.rel .LBB2_6-.Ltmp6, $4  }
0x1ed: {  	[hbm4b:s1+s4] =	stream.linear.scatter [tilespmem:s18], [sflag:$0x2], $0x3800, $0x38;
	[tilespmem:$0x12A80] =	vst v63  }
0x1ee: {  	_ =	swait.ge [sflag:s10], $0x3800  }
0x1ef: {  	[sflag:s10] =	ssyncset.done $0x0  }
0x1f0: {  	[sflag:s10] =	ssyncadd.s32 $0xFFFFC800  }
.LBB2_8:
0x1f1: {  	_ =	sfence.sel $0x180000  }
0x1f2: {  	[bflag:$0x0] =	sbarrier.arrive $0xFFFF  }
0x1f3: {  	_ =	strace $0x90000047  }
0x1f4: {  	s0 =	stileid.u32;
	[bflag:$0x2] =	sbarrier.arrive $0xFFFF  }
0x1f5: {  	p0 =	sne.s32 s0, $0x0;
	s0 =	rddreg [dreg:$0x4]  }
0x1f6: {  	s0 =	sadd.s32 @!p0 $0x100000, s0  }
0x1f7: {  	[sflag:s0] =	ssyncadd.tile.s32 @!p0 $0x1;
	_ =	shalt  }
.Lfunc_end2:
_tile_overlayer_lowered:
.L_overlay_start_2:
0x1f8: {  	(tag) =	ssettag $0x2  }
0x1f9: {  	s0 =	rddreg [dreg:$0x0];
	s2 =	stileid.u32  }
0x1fa: {  	s1 =	rddreg [dreg:$0x1];
	p0 =	sne.s32 s2, $0x0  }
0x1fb: {  	s3 =	rddreg [dreg:$0x2];
	[bflag:$0x3] =	sbarrier.arrive $0xFFFF;
	s2 =	simm.s32 @!p0 $0x1C02  }
0x1fc: {  	[timem:s3], [sflag:s2] =	dma.local @!p0 [hbm:s0], s1  }
0x1fd: {  	s0 =	simm.s32 @!p0 $0x2  }
0x1fe: {  	_ =	swait.ge @!p0 [sflag:s0], s1  }
0x1ff: {  	s1 =	ssub.s32 @!p0 $0x0, s1;
	[sflag:s0] =	ssyncset.done @!p0 $0x0  }
0x200: {  	[sflag:s0] =	ssyncadd.s32 @!p0 s1  }
0x201: {  	[bflag:$0x3] =	sbarrier.arrive $0xFFFF  }
0x202: {  	_ =	shalt  }

</sc_bundles>
